<compile_context>
chip_gen: v7x
topology: tpu7x:2x2x1
jax: 0.10.2.dev20260603
libtpu: 0.0.44.dev20260713+nightly
codegen_flags: <defaults>
</compile_context>

<pallas_src>
import functools

import jax
import jax.numpy as jnp
from jax import lax
from jax.experimental import pallas as pl
from jax.experimental.pallas import tpu as pltpu
from jax.experimental.pallas import tpu_sc as plsc

_BATCH = 4
_ROWS = 8192
_DIM = 1024
_NC = 2
_NS = 16
_NW = _NC * _NS
_RPW = _ROWS // _NW


_CH = 32
_NCHUNK = _RPW // _CH


def _build():
    mesh = plsc.VectorSubcoreMesh(core_axis_name="c", subcore_axis_name="s")

    @functools.partial(
        pl.kernel,
        mesh=mesh,
        out_type=jax.ShapeDtypeStruct((_BATCH, _ROWS, _DIM), jnp.float32),
        scratch_types=[
            pltpu.VMEM((_CH, _DIM), jnp.float32),
            pltpu.VMEM((_CH, _DIM), jnp.float32),
            pltpu.SemaphoreType.DMA,
            pltpu.SemaphoreType.DMA,
        ],
    )
    def bcast(table_hbm, out_hbm, buf0, buf1, lsem, ssem):
        wid = lax.axis_index("s") * _NC + lax.axis_index("c")
        base = wid * _RPW
        bufs = (buf0, buf1)

        def load(i):
            return pltpu.make_async_copy(
                table_hbm.at[pl.ds(base + i * _CH, _CH)], bufs[i % 2], lsem)

        def store(i, b):
            return pltpu.make_async_copy(
                bufs[i % 2], out_hbm.at[b, pl.ds(base + i * _CH, _CH)], ssem)

        loads = [load(i) for i in range(_NCHUNK)]
        stores = [[store(i, b) for b in range(_BATCH)] for i in range(_NCHUNK)]

        loads[0].start()
        for i in range(_NCHUNK):
            if i + 1 < _NCHUNK:
                if i >= 1:
                    for c in stores[i - 1]:
                        c.wait()
                loads[i + 1].start()
            loads[i].wait()
            for c in stores[i]:
                c.start()
        for c in stores[_NCHUNK - 2]:
            c.wait()
        for c in stores[_NCHUNK - 1]:
            c.wait()

    return bcast


_BCAST = _build()


def kernel(batch, embed_weight):
    del batch
    return _BCAST(embed_weight)

# --- scband reference (transcript-rebuilt; emitter-appended) ---
"""Pipeline reference for scband-index-embedding-36764920054521 (READ-ONLY COPY).

The authoritative reference and input builder live on the scoring server;
editing this copy changes nothing except your own understanding.
"""

import jax, jax.numpy as jnp
import numpy as np

MAX_INDEX = 8192
EMBED_DIM = 1024
BATCH = 4
SEQ_LEN = 8192


def setup_inputs(seed: int = 0) -> dict:
    key = jax.random.key(seed)
    k1, k2 = jax.random.split(key)
    # 'batch' content is irrelevant to the module (only its shape matters),
    # but we materialize it per input_specs as an int tensor of token ids.
    batch = jax.random.randint(k1, (BATCH, SEQ_LEN), 0, MAX_INDEX, dtype=jnp.int32)
    # Learned parameter: nn.Embedding(max_index, embed_dim) weight, ~N(0,1) like torch default.
    embed_weight = jax.random.normal(k2, (MAX_INDEX, EMBED_DIM), dtype=jnp.float32)
    return {"batch": batch, "embed_weight": embed_weight}


def reference(batch, embed_weight):
    # Faithful translation of IndexEmbedding.forward:
    # sequence_length = len(batch[0]); batch_size = len(batch)
    batch_size, sequence_length = batch.shape
    max_index = embed_weight.shape[0]
    # Overflow handling: indices beyond max_index-1 are clamped to max_index-1.
    base_idx = jnp.minimum(jnp.arange(sequence_length, dtype=jnp.int32), max_index - 1)
    indices = jnp.broadcast_to(base_idx, (batch_size, sequence_length))
    # embedding lookup -> gather rows of the table
    embeddings = jnp.take(embed_weight, indices, axis=0)
    return embeddings

if __name__ == "__main__":
    import jax
    _d = setup_inputs()
    print(jax.jit(kernel)(*tuple(_d.values())))

</pallas_src>

<mosaic_0001>
#map = affine_map<(d0, d1) -> (0, 0)>
#map1 = affine_map<(d0, d1) -> (0, 0, 0)>
module attributes {stable_mosaic.version = 14 : i64} {
  func.func @bcast(%arg0: i32, %arg1: i32, %arg2: memref<8192x1024xf32, #tpu.memory_space<hbm>>, %arg3: memref<4x8192x1024xf32, #tpu.memory_space<hbm>>, %arg4: memref<32x1024xf32, #tpu.memory_space<vmem>>, %arg5: memref<32x1024xf32, #tpu.memory_space<vmem>>, %arg6: memref<!tpu.dma_semaphore, #tpu.memory_space<semaphore_mem>>, %arg7: memref<!tpu.dma_semaphore, #tpu.memory_space<semaphore_mem>>) attributes {dimension_semantics = [#tpu.dimension_semantics<core_parallel>, #tpu.dimension_semantics<subcore_parallel>], iteration_bounds = array<i64: 2, 16>, scalar_prefetch = 0 : i64, scratch_operands = 4 : i64, tpu.core_type = #tpu.core_type<sc_vector_subcore>, window_params = [{transform_indices = #map}, {transform_indices = #map1}]} {
    %mul3A = arith.constant 2 : i32
    %mul3A_0 = arith.muli %arg1, %mul3A : i32
    %add3A = arith.addi %mul3A_0, %arg0 : i32
    %mul3A_1 = arith.constant 256 : i32
    %mul3A_2 = arith.muli %add3A, %mul3A_1 : i32
    %add3A_3 = arith.constant 0 : i32
    %add3A_4 = arith.addi %mul3A_2, %add3A_3 : i32
    %add3A_5 = arith.constant 32 : i32
    %add3A_6 = arith.addi %mul3A_2, %add3A_5 : i32
    %add3A_7 = arith.constant 64 : i32
    %add3A_8 = arith.addi %mul3A_2, %add3A_7 : i32
    %add3A_9 = arith.constant 96 : i32
    %add3A_10 = arith.addi %mul3A_2, %add3A_9 : i32
    %add3A_11 = arith.constant 128 : i32
    %add3A_12 = arith.addi %mul3A_2, %add3A_11 : i32
    %add3A_13 = arith.constant 160 : i32
    %add3A_14 = arith.addi %mul3A_2, %add3A_13 : i32
    %add3A_15 = arith.constant 192 : i32
    %add3A_16 = arith.addi %mul3A_2, %add3A_15 : i32
    %add3A_17 = arith.constant 224 : i32
    %add3A_18 = arith.addi %mul3A_2, %add3A_17 : i32
    %add3A_19 = arith.constant 0 : i32
    %add3A_20 = arith.addi %mul3A_2, %add3A_19 : i32
    %add3A_21 = arith.constant 0 : i32
    %add3A_22 = arith.addi %mul3A_2, %add3A_21 : i32
    %add3A_23 = arith.constant 0 : i32
    %add3A_24 = arith.addi %mul3A_2, %add3A_23 : i32
    %add3A_25 = arith.constant 0 : i32
    %add3A_26 = arith.addi %mul3A_2, %add3A_25 : i32
    %add3A_27 = arith.constant 32 : i32
    %add3A_28 = arith.addi %mul3A_2, %add3A_27 : i32
    %add3A_29 = arith.constant 32 : i32
    %add3A_30 = arith.addi %mul3A_2, %add3A_29 : i32
    %add3A_31 = arith.constant 32 : i32
    %add3A_32 = arith.addi %mul3A_2, %add3A_31 : i32
    %add3A_33 = arith.constant 32 : i32
    %add3A_34 = arith.addi %mul3A_2, %add3A_33 : i32
    %add3A_35 = arith.constant 64 : i32
    %add3A_36 = arith.addi %mul3A_2, %add3A_35 : i32
    %add3A_37 = arith.constant 64 : i32
    %add3A_38 = arith.addi %mul3A_2, %add3A_37 : i32
    %add3A_39 = arith.constant 64 : i32
    %add3A_40 = arith.addi %mul3A_2, %add3A_39 : i32
    %add3A_41 = arith.constant 64 : i32
    %add3A_42 = arith.addi %mul3A_2, %add3A_41 : i32
    %add3A_43 = arith.constant 96 : i32
    %add3A_44 = arith.addi %mul3A_2, %add3A_43 : i32
    %add3A_45 = arith.constant 96 : i32
    %add3A_46 = arith.addi %mul3A_2, %add3A_45 : i32
    %add3A_47 = arith.constant 96 : i32
    %add3A_48 = arith.addi %mul3A_2, %add3A_47 : i32
    %add3A_49 = arith.constant 96 : i32
    %add3A_50 = arith.addi %mul3A_2, %add3A_49 : i32
    %add3A_51 = arith.constant 128 : i32
    %add3A_52 = arith.addi %mul3A_2, %add3A_51 : i32
    %add3A_53 = arith.constant 128 : i32
    %add3A_54 = arith.addi %mul3A_2, %add3A_53 : i32
    %add3A_55 = arith.constant 128 : i32
    %add3A_56 = arith.addi %mul3A_2, %add3A_55 : i32
    %add3A_57 = arith.constant 128 : i32
    %add3A_58 = arith.addi %mul3A_2, %add3A_57 : i32
    %add3A_59 = arith.constant 160 : i32
    %add3A_60 = arith.addi %mul3A_2, %add3A_59 : i32
    %add3A_61 = arith.constant 160 : i32
    %add3A_62 = arith.addi %mul3A_2, %add3A_61 : i32
    %add3A_63 = arith.constant 160 : i32
    %add3A_64 = arith.addi %mul3A_2, %add3A_63 : i32
    %add3A_65 = arith.constant 160 : i32
    %add3A_66 = arith.addi %mul3A_2, %add3A_65 : i32
    %add3A_67 = arith.constant 192 : i32
    %add3A_68 = arith.addi %mul3A_2, %add3A_67 : i32
    %add3A_69 = arith.constant 192 : i32
    %add3A_70 = arith.addi %mul3A_2, %add3A_69 : i32
    %add3A_71 = arith.constant 192 : i32
    %add3A_72 = arith.addi %mul3A_2, %add3A_71 : i32
    %add3A_73 = arith.constant 192 : i32
    %add3A_74 = arith.addi %mul3A_2, %add3A_73 : i32
    %add3A_75 = arith.constant 224 : i32
    %add3A_76 = arith.addi %mul3A_2, %add3A_75 : i32
    %add3A_77 = arith.constant 224 : i32
    %add3A_78 = arith.addi %mul3A_2, %add3A_77 : i32
    %add3A_79 = arith.constant 224 : i32
    %add3A_80 = arith.addi %mul3A_2, %add3A_79 : i32
    %add3A_81 = arith.constant 224 : i32
    %add3A_82 = arith.addi %mul3A_2, %add3A_81 : i32
    %dma_start3A = arith.constant 0 : i32
    %dma_start3A_83 = tpu.memref_slice %arg2[%add3A_4, %dma_start3A] : memref<8192x1024xf32, #tpu.memory_space<hbm>> -> memref<32x1024xf32, #tpu.memory_space<hbm>>
    %dma_start3A_84 = arith.constant 0 : i32
    %dma_start3A_85 = tpu.memref_slice %arg2[%add3A_4, %dma_start3A_84] : memref<8192x1024xf32, #tpu.memory_space<hbm>> -> memref<32x1024xf32, #tpu.memory_space<hbm>>
    tpu.enqueue_dma source(%dma_start3A_85 : memref<32x1024xf32, #tpu.memory_space<hbm>>) target(%arg4 : memref<32x1024xf32, #tpu.memory_space<vmem>>) target_semaphore(%arg6 : memref<!tpu.dma_semaphore, #tpu.memory_space<semaphore_mem>>)
    %dma_start3A_86 = arith.constant 0 : i32
    %dma_start3A_87 = tpu.memref_slice %arg2[%add3A_6, %dma_start3A_86] : memref<8192x1024xf32, #tpu.memory_space<hbm>> -> memref<32x1024xf32, #tpu.memory_space<hbm>>
    %dma_start3A_88 = arith.constant 0 : i32
    %dma_start3A_89 = tpu.memref_slice %arg2[%add3A_6, %dma_start3A_88] : memref<8192x1024xf32, #tpu.memory_space<hbm>> -> memref<32x1024xf32, #tpu.memory_space<hbm>>
    tpu.enqueue_dma source(%dma_start3A_89 : memref<32x1024xf32, #tpu.memory_space<hbm>>) target(%arg5 : memref<32x1024xf32, #tpu.memory_space<vmem>>) target_semaphore(%arg6 : memref<!tpu.dma_semaphore, #tpu.memory_space<semaphore_mem>>)
    %dma_wait3A = arith.constant 0 : i32
    %dma_wait3A_90 = tpu.memref_slice %arg2[%add3A_4, %dma_wait3A] : memref<8192x1024xf32, #tpu.memory_space<hbm>> -> memref<32x1024xf32, #tpu.memory_space<hbm>>
    %dma_wait3A_91 = arith.constant 0 : i32
    %dma_wait3A_92 = tpu.memref_slice %arg2[%add3A_4, %dma_wait3A_91] : memref<8192x1024xf32, #tpu.memory_space<hbm>> -> memref<32x1024xf32, #tpu.memory_space<hbm>>
    tpu.wait_dma2 semaphore(%arg6 : memref<!tpu.dma_semaphore, #tpu.memory_space<semaphore_mem>>) src(%dma_wait3A_92 : memref<32x1024xf32, #tpu.memory_space<hbm>>) dst(%arg4 : memref<32x1024xf32, #tpu.memory_space<vmem>>)
    %dma_start3A_93 = arith.constant 0 : i32
    %dma_start3A_94 = arith.constant 0 : i32
    %dma_start3A_95 = tpu.memref_slice %arg3[%dma_start3A_93, %add3A_20, %dma_start3A_94] : memref<4x8192x1024xf32, #tpu.memory_space<hbm>> -> memref<1x32x1024xf32, #tpu.memory_space<hbm>>
    %dma_start3A_96 = tpu.memref_squeeze %dma_start3A_95 : memref<1x32x1024xf32, #tpu.memory_space<hbm>> -> memref<32x1024xf32, #tpu.memory_space<hbm>>
    %dma_start3A_97 = arith.constant 0 : i32
    %dma_start3A_98 = tpu.memref_slice %arg3[%dma_start3A_93, %add3A_20, %dma_start3A_97] : memref<4x8192x1024xf32, #tpu.memory_space<hbm>> -> memref<1x32x1024xf32, #tpu.memory_space<hbm>>
    %dma_start3A_99 = tpu.memref_squeeze %dma_start3A_98 : memref<1x32x1024xf32, #tpu.memory_space<hbm>> -> memref<32x1024xf32, #tpu.memory_space<hbm>>
    tpu.enqueue_dma source(%arg4 : memref<32x1024xf32, #tpu.memory_space<vmem>>) target(%dma_start3A_99 : memref<32x1024xf32, #tpu.memory_space<hbm>>) target_semaphore(%arg7 : memref<!tpu.dma_semaphore, #tpu.memory_space<semaphore_mem>>)
    %dma_start3A_100 = arith.constant 1 : i32
    %dma_start3A_101 = arith.constant 0 : i32
    %dma_start3A_102 = tpu.memref_slice %arg3[%dma_start3A_100, %add3A_22, %dma_start3A_101] : memref<4x8192x1024xf32, #tpu.memory_space<hbm>> -> memref<1x32x1024xf32, #tpu.memory_space<hbm>>
    %dma_start3A_103 = tpu.memref_squeeze %dma_start3A_102 : memref<1x32x1024xf32, #tpu.memory_space<hbm>> -> memref<32x1024xf32, #tpu.memory_space<hbm>>
    %dma_start3A_104 = arith.constant 0 : i32
    %dma_start3A_105 = tpu.memref_slice %arg3[%dma_start3A_100, %add3A_22, %dma_start3A_104] : memref<4x8192x1024xf32, #tpu.memory_space<hbm>> -> memref<1x32x1024xf32, #tpu.memory_space<hbm>>
    %dma_start3A_106 = tpu.memref_squeeze %dma_start3A_105 : memref<1x32x1024xf32, #tpu.memory_space<hbm>> -> memref<32x1024xf32, #tpu.memory_space<hbm>>
    tpu.enqueue_dma source(%arg4 : memref<32x1024xf32, #tpu.memory_space<vmem>>) target(%dma_start3A_106 : memref<32x1024xf32, #tpu.memory_space<hbm>>) target_semaphore(%arg7 : memref<!tpu.dma_semaphore, #tpu.memory_space<semaphore_mem>>)
    %dma_start3A_107 = arith.constant 2 : i32
    %dma_start3A_108 = arith.constant 0 : i32
    %dma_start3A_109 = tpu.memref_slice %arg3[%dma_start3A_107, %add3A_24, %dma_start3A_108] : memref<4x8192x1024xf32, #tpu.memory_space<hbm>> -> memref<1x32x1024xf32, #tpu.memory_space<hbm>>
    %dma_start3A_110 = tpu.memref_squeeze %dma_start3A_109 : memref<1x32x1024xf32, #tpu.memory_space<hbm>> -> memref<32x1024xf32, #tpu.memory_space<hbm>>
    %dma_start3A_111 = arith.constant 0 : i32
    %dma_start3A_112 = tpu.memref_slice %arg3[%dma_start3A_107, %add3A_24, %dma_start3A_111] : memref<4x8192x1024xf32, #tpu.memory_space<hbm>> -> memref<1x32x1024xf32, #tpu.memory_space<hbm>>
    %dma_start3A_113 = tpu.memref_squeeze %dma_start3A_112 : memref<1x32x1024xf32, #tpu.memory_space<hbm>> -> memref<32x1024xf32, #tpu.memory_space<hbm>>
    tpu.enqueue_dma source(%arg4 : memref<32x1024xf32, #tpu.memory_space<vmem>>) target(%dma_start3A_113 : memref<32x1024xf32, #tpu.memory_space<hbm>>) target_semaphore(%arg7 : memref<!tpu.dma_semaphore, #tpu.memory_space<semaphore_mem>>)
    %dma_start3A_114 = arith.constant 3 : i32
    %dma_start3A_115 = arith.constant 0 : i32
    %dma_start3A_116 = tpu.memref_slice %arg3[%dma_start3A_114, %add3A_26, %dma_start3A_115] : memref<4x8192x1024xf32, #tpu.memory_space<hbm>> -> memref<1x32x1024xf32, #tpu.memory_space<hbm>>
    %dma_start3A_117 = tpu.memref_squeeze %dma_start3A_116 : memref<1x32x1024xf32, #tpu.memory_space<hbm>> -> memref<32x1024xf32, #tpu.memory_space<hbm>>
    %dma_start3A_118 = arith.constant 0 : i32
    %dma_start3A_119 = tpu.memref_slice %arg3[%dma_start3A_114, %add3A_26, %dma_start3A_118] : memref<4x8192x1024xf32, #tpu.memory_space<hbm>> -> memref<1x32x1024xf32, #tpu.memory_space<hbm>>
    %dma_start3A_120 = tpu.memref_squeeze %dma_start3A_119 : memref<1x32x1024xf32, #tpu.memory_space<hbm>> -> memref<32x1024xf32, #tpu.memory_space<hbm>>
    tpu.enqueue_dma source(%arg4 : memref<32x1024xf32, #tpu.memory_space<vmem>>) target(%dma_start3A_120 : memref<32x1024xf32, #tpu.memory_space<hbm>>) target_semaphore(%arg7 : memref<!tpu.dma_semaphore, #tpu.memory_space<semaphore_mem>>)
    %dma_wait3A_121 = arith.constant 0 : i32
    %dma_wait3A_122 = arith.constant 0 : i32
    %dma_wait3A_123 = tpu.memref_slice %arg3[%dma_wait3A_121, %add3A_20, %dma_wait3A_122] : memref<4x8192x1024xf32, #tpu.memory_space<hbm>> -> memref<1x32x1024xf32, #tpu.memory_space<hbm>>
    %dma_wait3A_124 = tpu.memref_squeeze %dma_wait3A_123 : memref<1x32x1024xf32, #tpu.memory_space<hbm>> -> memref<32x1024xf32, #tpu.memory_space<hbm>>
    %dma_wait3A_125 = arith.constant 0 : i32
    %dma_wait3A_126 = tpu.memref_slice %arg3[%dma_wait3A_121, %add3A_20, %dma_wait3A_125] : memref<4x8192x1024xf32, #tpu.memory_space<hbm>> -> memref<1x32x1024xf32, #tpu.memory_space<hbm>>
    %dma_wait3A_127 = tpu.memref_squeeze %dma_wait3A_126 : memref<1x32x1024xf32, #tpu.memory_space<hbm>> -> memref<32x1024xf32, #tpu.memory_space<hbm>>
    tpu.wait_dma2 semaphore(%arg7 : memref<!tpu.dma_semaphore, #tpu.memory_space<semaphore_mem>>) src(%arg4 : memref<32x1024xf32, #tpu.memory_space<vmem>>) dst(%dma_wait3A_127 : memref<32x1024xf32, #tpu.memory_space<hbm>>)
    %dma_wait3A_128 = arith.constant 1 : i32
    %dma_wait3A_129 = arith.constant 0 : i32
    %dma_wait3A_130 = tpu.memref_slice %arg3[%dma_wait3A_128, %add3A_22, %dma_wait3A_129] : memref<4x8192x1024xf32, #tpu.memory_space<hbm>> -> memref<1x32x1024xf32, #tpu.memory_space<hbm>>
    %dma_wait3A_131 = tpu.memref_squeeze %dma_wait3A_130 : memref<1x32x1024xf32, #tpu.memory_space<hbm>> -> memref<32x1024xf32, #tpu.memory_space<hbm>>
    %dma_wait3A_132 = arith.constant 0 : i32
    %dma_wait3A_133 = tpu.memref_slice %arg3[%dma_wait3A_128, %add3A_22, %dma_wait3A_132] : memref<4x8192x1024xf32, #tpu.memory_space<hbm>> -> memref<1x32x1024xf32, #tpu.memory_space<hbm>>
    %dma_wait3A_134 = tpu.memref_squeeze %dma_wait3A_133 : memref<1x32x1024xf32, #tpu.memory_space<hbm>> -> memref<32x1024xf32, #tpu.memory_space<hbm>>
    tpu.wait_dma2 semaphore(%arg7 : memref<!tpu.dma_semaphore, #tpu.memory_space<semaphore_mem>>) src(%arg4 : memref<32x1024xf32, #tpu.memory_space<vmem>>) dst(%dma_wait3A_134 : memref<32x1024xf32, #tpu.memory_space<hbm>>)
    %dma_wait3A_135 = arith.constant 2 : i32
    %dma_wait3A_136 = arith.constant 0 : i32
    %dma_wait3A_137 = tpu.memref_slice %arg3[%dma_wait3A_135, %add3A_24, %dma_wait3A_136] : memref<4x8192x1024xf32, #tpu.memory_space<hbm>> -> memref<1x32x1024xf32, #tpu.memory_space<hbm>>
    %dma_wait3A_138 = tpu.memref_squeeze %dma_wait3A_137 : memref<1x32x1024xf32, #tpu.memory_space<hbm>> -> memref<32x1024xf32, #tpu.memory_space<hbm>>
    %dma_wait3A_139 = arith.constant 0 : i32
    %dma_wait3A_140 = tpu.memref_slice %arg3[%dma_wait3A_135, %add3A_24, %dma_wait3A_139] : memref<4x8192x1024xf32, #tpu.memory_space<hbm>> -> memref<1x32x1024xf32, #tpu.memory_space<hbm>>
    %dma_wait3A_141 = tpu.memref_squeeze %dma_wait3A_140 : memref<1x32x1024xf32, #tpu.memory_space<hbm>> -> memref<32x1024xf32, #tpu.memory_space<hbm>>
    tpu.wait_dma2 semaphore(%arg7 : memref<!tpu.dma_semaphore, #tpu.memory_space<semaphore_mem>>) src(%arg4 : memref<32x1024xf32, #tpu.memory_space<vmem>>) dst(%dma_wait3A_141 : memref<32x1024xf32, #tpu.memory_space<hbm>>)
    %dma_wait3A_142 = arith.constant 3 : i32
    %dma_wait3A_143 = arith.constant 0 : i32
    %dma_wait3A_144 = tpu.memref_slice %arg3[%dma_wait3A_142, %add3A_26, %dma_wait3A_143] : memref<4x8192x1024xf32, #tpu.memory_space<hbm>> -> memref<1x32x1024xf32, #tpu.memory_space<hbm>>
    %dma_wait3A_145 = tpu.memref_squeeze %dma_wait3A_144 : memref<1x32x1024xf32, #tpu.memory_space<hbm>> -> memref<32x1024xf32, #tpu.memory_space<hbm>>
    %dma_wait3A_146 = arith.constant 0 : i32
    %dma_wait3A_147 = tpu.memref_slice %arg3[%dma_wait3A_142, %add3A_26, %dma_wait3A_146] : memref<4x8192x1024xf32, #tpu.memory_space<hbm>> -> memref<1x32x1024xf32, #tpu.memory_space<hbm>>
    %dma_wait3A_148 = tpu.memref_squeeze %dma_wait3A_147 : memref<1x32x1024xf32, #tpu.memory_space<hbm>> -> memref<32x1024xf32, #tpu.memory_space<hbm>>
    tpu.wait_dma2 semaphore(%arg7 : memref<!tpu.dma_semaphore, #tpu.memory_space<semaphore_mem>>) src(%arg4 : memref<32x1024xf32, #tpu.memory_space<vmem>>) dst(%dma_wait3A_148 : memref<32x1024xf32, #tpu.memory_space<hbm>>)
    %dma_start3A_149 = arith.constant 0 : i32
    %dma_start3A_150 = tpu.memref_slice %arg2[%add3A_8, %dma_start3A_149] : memref<8192x1024xf32, #tpu.memory_space<hbm>> -> memref<32x1024xf32, #tpu.memory_space<hbm>>
    %dma_start3A_151 = arith.constant 0 : i32
    %dma_start3A_152 = tpu.memref_slice %arg2[%add3A_8, %dma_start3A_151] : memref<8192x1024xf32, #tpu.memory_space<hbm>> -> memref<32x1024xf32, #tpu.memory_space<hbm>>
    tpu.enqueue_dma source(%dma_start3A_152 : memref<32x1024xf32, #tpu.memory_space<hbm>>) target(%arg4 : memref<32x1024xf32, #tpu.memory_space<vmem>>) target_semaphore(%arg6 : memref<!tpu.dma_semaphore, #tpu.memory_space<semaphore_mem>>)
    %dma_wait3A_153 = arith.constant 0 : i32
    %dma_wait3A_154 = tpu.memref_slice %arg2[%add3A_6, %dma_wait3A_153] : memref<8192x1024xf32, #tpu.memory_space<hbm>> -> memref<32x1024xf32, #tpu.memory_space<hbm>>
    %dma_wait3A_155 = arith.constant 0 : i32
    %dma_wait3A_156 = tpu.memref_slice %arg2[%add3A_6, %dma_wait3A_155] : memref<8192x1024xf32, #tpu.memory_space<hbm>> -> memref<32x1024xf32, #tpu.memory_space<hbm>>
    tpu.wait_dma2 semaphore(%arg6 : memref<!tpu.dma_semaphore, #tpu.memory_space<semaphore_mem>>) src(%dma_wait3A_156 : memref<32x1024xf32, #tpu.memory_space<hbm>>) dst(%arg5 : memref<32x1024xf32, #tpu.memory_space<vmem>>)
    %dma_start3A_157 = arith.constant 0 : i32
    %dma_start3A_158 = arith.constant 0 : i32
    %dma_start3A_159 = tpu.memref_slice %arg3[%dma_start3A_157, %add3A_28, %dma_start3A_158] : memref<4x8192x1024xf32, #tpu.memory_space<hbm>> -> memref<1x32x1024xf32, #tpu.memory_space<hbm>>
    %dma_start3A_160 = tpu.memref_squeeze %dma_start3A_159 : memref<1x32x1024xf32, #tpu.memory_space<hbm>> -> memref<32x1024xf32, #tpu.memory_space<hbm>>
    %dma_start3A_161 = arith.constant 0 : i32
    %dma_start3A_162 = tpu.memref_slice %arg3[%dma_start3A_157, %add3A_28, %dma_start3A_161] : memref<4x8192x1024xf32, #tpu.memory_space<hbm>> -> memref<1x32x1024xf32, #tpu.memory_space<hbm>>
    %dma_start3A_163 = tpu.memref_squeeze %dma_start3A_162 : memref<1x32x1024xf32, #tpu.memory_space<hbm>> -> memref<32x1024xf32, #tpu.memory_space<hbm>>
    tpu.enqueue_dma source(%arg5 : memref<32x1024xf32, #tpu.memory_space<vmem>>) target(%dma_start3A_163 : memref<32x1024xf32, #tpu.memory_space<hbm>>) target_semaphore(%arg7 : memref<!tpu.dma_semaphore, #tpu.memory_space<semaphore_mem>>)
    %dma_start3A_164 = arith.constant 1 : i32
    %dma_start3A_165 = arith.constant 0 : i32
    %dma_start3A_166 = tpu.memref_slice %arg3[%dma_start3A_164, %add3A_30, %dma_start3A_165] : memref<4x8192x1024xf32, #tpu.memory_space<hbm>> -> memref<1x32x1024xf32, #tpu.memory_space<hbm>>
    %dma_start3A_167 = tpu.memref_squeeze %dma_start3A_166 : memref<1x32x1024xf32, #tpu.memory_space<hbm>> -> memref<32x1024xf32, #tpu.memory_space<hbm>>
    %dma_start3A_168 = arith.constant 0 : i32
    %dma_start3A_169 = tpu.memref_slice %arg3[%dma_start3A_164, %add3A_30, %dma_start3A_168] : memref<4x8192x1024xf32, #tpu.memory_space<hbm>> -> memref<1x32x1024xf32, #tpu.memory_space<hbm>>
    %dma_start3A_170 = tpu.memref_squeeze %dma_start3A_169 : memref<1x32x1024xf32, #tpu.memory_space<hbm>> -> memref<32x1024xf32, #tpu.memory_space<hbm>>
    tpu.enqueue_dma source(%arg5 : memref<32x1024xf32, #tpu.memory_space<vmem>>) target(%dma_start3A_170 : memref<32x1024xf32, #tpu.memory_space<hbm>>) target_semaphore(%arg7 : memref<!tpu.dma_semaphore, #tpu.memory_space<semaphore_mem>>)
    %dma_start3A_171 = arith.constant 2 : i32
    %dma_start3A_172 = arith.constant 0 : i32
    %dma_start3A_173 = tpu.memref_slice %arg3[%dma_start3A_171, %add3A_32, %dma_start3A_172] : memref<4x8192x1024xf32, #tpu.memory_space<hbm>> -> memref<1x32x1024xf32, #tpu.memory_space<hbm>>
    %dma_start3A_174 = tpu.memref_squeeze %dma_start3A_173 : memref<1x32x1024xf32, #tpu.memory_space<hbm>> -> memref<32x1024xf32, #tpu.memory_space<hbm>>
    %dma_start3A_175 = arith.constant 0 : i32
    %dma_start3A_176 = tpu.memref_slice %arg3[%dma_start3A_171, %add3A_32, %dma_start3A_175] : memref<4x8192x1024xf32, #tpu.memory_space<hbm>> -> memref<1x32x1024xf32, #tpu.memory_space<hbm>>
    %dma_start3A_177 = tpu.memref_squeeze %dma_start3A_176 : memref<1x32x1024xf32, #tpu.memory_space<hbm>> -> memref<32x1024xf32, #tpu.memory_space<hbm>>
    tpu.enqueue_dma source(%arg5 : memref<32x1024xf32, #tpu.memory_space<vmem>>) target(%dma_start3A_177 : memref<32x1024xf32, #tpu.memory_space<hbm>>) target_semaphore(%arg7 : memref<!tpu.dma_semaphore, #tpu.memory_space<semaphore_mem>>)
    %dma_start3A_178 = arith.constant 3 : i32
    %dma_start3A_179 = arith.constant 0 : i32
    %dma_start3A_180 = tpu.memref_slice %arg3[%dma_start3A_178, %add3A_34, %dma_start3A_179] : memref<4x8192x1024xf32, #tpu.memory_space<hbm>> -> memref<1x32x1024xf32, #tpu.memory_space<hbm>>
    %dma_start3A_181 = tpu.memref_squeeze %dma_start3A_180 : memref<1x32x1024xf32, #tpu.memory_space<hbm>> -> memref<32x1024xf32, #tpu.memory_space<hbm>>
    %dma_start3A_182 = arith.constant 0 : i32
    %dma_start3A_183 = tpu.memref_slice %arg3[%dma_start3A_178, %add3A_34, %dma_start3A_182] : memref<4x8192x1024xf32, #tpu.memory_space<hbm>> -> memref<1x32x1024xf32, #tpu.memory_space<hbm>>
    %dma_start3A_184 = tpu.memref_squeeze %dma_start3A_183 : memref<1x32x1024xf32, #tpu.memory_space<hbm>> -> memref<32x1024xf32, #tpu.memory_space<hbm>>
    tpu.enqueue_dma source(%arg5 : memref<32x1024xf32, #tpu.memory_space<vmem>>) target(%dma_start3A_184 : memref<32x1024xf32, #tpu.memory_space<hbm>>) target_semaphore(%arg7 : memref<!tpu.dma_semaphore, #tpu.memory_space<semaphore_mem>>)
    %dma_wait3A_185 = arith.constant 0 : i32
    %dma_wait3A_186 = arith.constant 0 : i32
    %dma_wait3A_187 = tpu.memref_slice %arg3[%dma_wait3A_185, %add3A_28, %dma_wait3A_186] : memref<4x8192x1024xf32, #tpu.memory_space<hbm>> -> memref<1x32x1024xf32, #tpu.memory_space<hbm>>
    %dma_wait3A_188 = tpu.memref_squeeze %dma_wait3A_187 : memref<1x32x1024xf32, #tpu.memory_space<hbm>> -> memref<32x1024xf32, #tpu.memory_space<hbm>>
    %dma_wait3A_189 = arith.constant 0 : i32
    %dma_wait3A_190 = tpu.memref_slice %arg3[%dma_wait3A_185, %add3A_28, %dma_wait3A_189] : memref<4x8192x1024xf32, #tpu.memory_space<hbm>> -> memref<1x32x1024xf32, #tpu.memory_space<hbm>>
    %dma_wait3A_191 = tpu.memref_squeeze %dma_wait3A_190 : memref<1x32x1024xf32, #tpu.memory_space<hbm>> -> memref<32x1024xf32, #tpu.memory_space<hbm>>
    tpu.wait_dma2 semaphore(%arg7 : memref<!tpu.dma_semaphore, #tpu.memory_space<semaphore_mem>>) src(%arg5 : memref<32x1024xf32, #tpu.memory_space<vmem>>) dst(%dma_wait3A_191 : memref<32x1024xf32, #tpu.memory_space<hbm>>)
    %dma_wait3A_192 = arith.constant 1 : i32
    %dma_wait3A_193 = arith.constant 0 : i32
    %dma_wait3A_194 = tpu.memref_slice %arg3[%dma_wait3A_192, %add3A_30, %dma_wait3A_193] : memref<4x8192x1024xf32, #tpu.memory_space<hbm>> -> memref<1x32x1024xf32, #tpu.memory_space<hbm>>
    %dma_wait3A_195 = tpu.memref_squeeze %dma_wait3A_194 : memref<1x32x1024xf32, #tpu.memory_space<hbm>> -> memref<32x1024xf32, #tpu.memory_space<hbm>>
    %dma_wait3A_196 = arith.constant 0 : i32
    %dma_wait3A_197 = tpu.memref_slice %arg3[%dma_wait3A_192, %add3A_30, %dma_wait3A_196] : memref<4x8192x1024xf32, #tpu.memory_space<hbm>> -> memref<1x32x1024xf32, #tpu.memory_space<hbm>>
    %dma_wait3A_198 = tpu.memref_squeeze %dma_wait3A_197 : memref<1x32x1024xf32, #tpu.memory_space<hbm>> -> memref<32x1024xf32, #tpu.memory_space<hbm>>
    tpu.wait_dma2 semaphore(%arg7 : memref<!tpu.dma_semaphore, #tpu.memory_space<semaphore_mem>>) src(%arg5 : memref<32x1024xf32, #tpu.memory_space<vmem>>) dst(%dma_wait3A_198 : memref<32x1024xf32, #tpu.memory_space<hbm>>)
    %dma_wait3A_199 = arith.constant 2 : i32
    %dma_wait3A_200 = arith.constant 0 : i32
    %dma_wait3A_201 = tpu.memref_slice %arg3[%dma_wait3A_199, %add3A_32, %dma_wait3A_200] : memref<4x8192x1024xf32, #tpu.memory_space<hbm>> -> memref<1x32x1024xf32, #tpu.memory_space<hbm>>
    %dma_wait3A_202 = tpu.memref_squeeze %dma_wait3A_201 : memref<1x32x1024xf32, #tpu.memory_space<hbm>> -> memref<32x1024xf32, #tpu.memory_space<hbm>>
    %dma_wait3A_203 = arith.constant 0 : i32
    %dma_wait3A_204 = tpu.memref_slice %arg3[%dma_wait3A_199, %add3A_32, %dma_wait3A_203] : memref<4x8192x1024xf32, #tpu.memory_space<hbm>> -> memref<1x32x1024xf32, #tpu.memory_space<hbm>>
    %dma_wait3A_205 = tpu.memref_squeeze %dma_wait3A_204 : memref<1x32x1024xf32, #tpu.memory_space<hbm>> -> memref<32x1024xf32, #tpu.memory_space<hbm>>
    tpu.wait_dma2 semaphore(%arg7 : memref<!tpu.dma_semaphore, #tpu.memory_space<semaphore_mem>>) src(%arg5 : memref<32x1024xf32, #tpu.memory_space<vmem>>) dst(%dma_wait3A_205 : memref<32x1024xf32, #tpu.memory_space<hbm>>)
    %dma_wait3A_206 = arith.constant 3 : i32
    %dma_wait3A_207 = arith.constant 0 : i32
    %dma_wait3A_208 = tpu.memref_slice %arg3[%dma_wait3A_206, %add3A_34, %dma_wait3A_207] : memref<4x8192x1024xf32, #tpu.memory_space<hbm>> -> memref<1x32x1024xf32, #tpu.memory_space<hbm>>
    %dma_wait3A_209 = tpu.memref_squeeze %dma_wait3A_208 : memref<1x32x1024xf32, #tpu.memory_space<hbm>> -> memref<32x1024xf32, #tpu.memory_space<hbm>>
    %dma_wait3A_210 = arith.constant 0 : i32
    %dma_wait3A_211 = tpu.memref_slice %arg3[%dma_wait3A_206, %add3A_34, %dma_wait3A_210] : memref<4x8192x1024xf32, #tpu.memory_space<hbm>> -> memref<1x32x1024xf32, #tpu.memory_space<hbm>>
    %dma_wait3A_212 = tpu.memref_squeeze %dma_wait3A_211 : memref<1x32x1024xf32, #tpu.memory_space<hbm>> -> memref<32x1024xf32, #tpu.memory_space<hbm>>
    tpu.wait_dma2 semaphore(%arg7 : memref<!tpu.dma_semaphore, #tpu.memory_space<semaphore_mem>>) src(%arg5 : memref<32x1024xf32, #tpu.memory_space<vmem>>) dst(%dma_wait3A_212 : memref<32x1024xf32, #tpu.memory_space<hbm>>)
    %dma_start3A_213 = arith.constant 0 : i32
    %dma_start3A_214 = tpu.memref_slice %arg2[%add3A_10, %dma_start3A_213] : memref<8192x1024xf32, #tpu.memory_space<hbm>> -> memref<32x1024xf32, #tpu.memory_space<hbm>>
    %dma_start3A_215 = arith.constant 0 : i32
    %dma_start3A_216 = tpu.memref_slice %arg2[%add3A_10, %dma_start3A_215] : memref<8192x1024xf32, #tpu.memory_space<hbm>> -> memref<32x1024xf32, #tpu.memory_space<hbm>>
    tpu.enqueue_dma source(%dma_start3A_216 : memref<32x1024xf32, #tpu.memory_space<hbm>>) target(%arg5 : memref<32x1024xf32, #tpu.memory_space<vmem>>) target_semaphore(%arg6 : memref<!tpu.dma_semaphore, #tpu.memory_space<semaphore_mem>>)
    %dma_wait3A_217 = arith.constant 0 : i32
    %dma_wait3A_218 = tpu.memref_slice %arg2[%add3A_8, %dma_wait3A_217] : memref<8192x1024xf32, #tpu.memory_space<hbm>> -> memref<32x1024xf32, #tpu.memory_space<hbm>>
    %dma_wait3A_219 = arith.constant 0 : i32
    %dma_wait3A_220 = tpu.memref_slice %arg2[%add3A_8, %dma_wait3A_219] : memref<8192x1024xf32, #tpu.memory_space<hbm>> -> memref<32x1024xf32, #tpu.memory_space<hbm>>
    tpu.wait_dma2 semaphore(%arg6 : memref<!tpu.dma_semaphore, #tpu.memory_space<semaphore_mem>>) src(%dma_wait3A_220 : memref<32x1024xf32, #tpu.memory_space<hbm>>) dst(%arg4 : memref<32x1024xf32, #tpu.memory_space<vmem>>)
    %dma_start3A_221 = arith.constant 0 : i32
    %dma_start3A_222 = arith.constant 0 : i32
    %dma_start3A_223 = tpu.memref_slice %arg3[%dma_start3A_221, %add3A_36, %dma_start3A_222] : memref<4x8192x1024xf32, #tpu.memory_space<hbm>> -> memref<1x32x1024xf32, #tpu.memory_space<hbm>>
    %dma_start3A_224 = tpu.memref_squeeze %dma_start3A_223 : memref<1x32x1024xf32, #tpu.memory_space<hbm>> -> memref<32x1024xf32, #tpu.memory_space<hbm>>
    %dma_start3A_225 = arith.constant 0 : i32
    %dma_start3A_226 = tpu.memref_slice %arg3[%dma_start3A_221, %add3A_36, %dma_start3A_225] : memref<4x8192x1024xf32, #tpu.memory_space<hbm>> -> memref<1x32x1024xf32, #tpu.memory_space<hbm>>
    %dma_start3A_227 = tpu.memref_squeeze %dma_start3A_226 : memref<1x32x1024xf32, #tpu.memory_space<hbm>> -> memref<32x1024xf32, #tpu.memory_space<hbm>>
    tpu.enqueue_dma source(%arg4 : memref<32x1024xf32, #tpu.memory_space<vmem>>) target(%dma_start3A_227 : memref<32x1024xf32, #tpu.memory_space<hbm>>) target_semaphore(%arg7 : memref<!tpu.dma_semaphore, #tpu.memory_space<semaphore_mem>>)
    %dma_start3A_228 = arith.constant 1 : i32
    %dma_start3A_229 = arith.constant 0 : i32
    %dma_start3A_230 = tpu.memref_slice %arg3[%dma_start3A_228, %add3A_38, %dma_start3A_229] : memref<4x8192x1024xf32, #tpu.memory_space<hbm>> -> memref<1x32x1024xf32, #tpu.memory_space<hbm>>
    %dma_start3A_231 = tpu.memref_squeeze %dma_start3A_230 : memref<1x32x1024xf32, #tpu.memory_space<hbm>> -> memref<32x1024xf32, #tpu.memory_space<hbm>>
    %dma_start3A_232 = arith.constant 0 : i32
    %dma_start3A_233 = tpu.memref_slice %arg3[%dma_start3A_228, %add3A_38, %dma_start3A_232] : memref<4x8192x1024xf32, #tpu.memory_space<hbm>> -> memref<1x32x1024xf32, #tpu.memory_space<hbm>>
    %dma_start3A_234 = tpu.memref_squeeze %dma_start3A_233 : memref<1x32x1024xf32, #tpu.memory_space<hbm>> -> memref<32x1024xf32, #tpu.memory_space<hbm>>
    tpu.enqueue_dma source(%arg4 : memref<32x1024xf32, #tpu.memory_space<vmem>>) target(%dma_start3A_234 : memref<32x1024xf32, #tpu.memory_space<hbm>>) target_semaphore(%arg7 : memref<!tpu.dma_semaphore, #tpu.memory_space<semaphore_mem>>)
    %dma_start3A_235 = arith.constant 2 : i32
    %dma_start3A_236 = arith.constant 0 : i32
    %dma_start3A_237 = tpu.memref_slice %arg3[%dma_start3A_235, %add3A_40, %dma_start3A_236] : memref<4x8192x1024xf32, #tpu.memory_space<hbm>> -> memref<1x32x1024xf32, #tpu.memory_space<hbm>>
    %dma_start3A_238 = tpu.memref_squeeze %dma_start3A_237 : memref<1x32x1024xf32, #tpu.memory_space<hbm>> -> memref<32x1024xf32, #tpu.memory_space<hbm>>
    %dma_start3A_239 = arith.constant 0 : i32
    %dma_start3A_240 = tpu.memref_slice %arg3[%dma_start3A_235, %add3A_40, %dma_start3A_239] : memref<4x8192x1024xf32, #tpu.memory_space<hbm>> -> memref<1x32x1024xf32, #tpu.memory_space<hbm>>
    %dma_start3A_241 = tpu.memref_squeeze %dma_start3A_240 : memref<1x32x1024xf32, #tpu.memory_space<hbm>> -> memref<32x1024xf32, #tpu.memory_space<hbm>>
    tpu.enqueue_dma source(%arg4 : memref<32x1024xf32, #tpu.memory_space<vmem>>) target(%dma_start3A_241 : memref<32x1024xf32, #tpu.memory_space<hbm>>) target_semaphore(%arg7 : memref<!tpu.dma_semaphore, #tpu.memory_space<semaphore_mem>>)
    %dma_start3A_242 = arith.constant 3 : i32
    %dma_start3A_243 = arith.constant 0 : i32
    %dma_start3A_244 = tpu.memref_slice %arg3[%dma_start3A_242, %add3A_42, %dma_start3A_243] : memref<4x8192x1024xf32, #tpu.memory_space<hbm>> -> memref<1x32x1024xf32, #tpu.memory_space<hbm>>
    %dma_start3A_245 = tpu.memref_squeeze %dma_start3A_244 : memref<1x32x1024xf32, #tpu.memory_space<hbm>> -> memref<32x1024xf32, #tpu.memory_space<hbm>>
    %dma_start3A_246 = arith.constant 0 : i32
    %dma_start3A_247 = tpu.memref_slice %arg3[%dma_start3A_242, %add3A_42, %dma_start3A_246] : memref<4x8192x1024xf32, #tpu.memory_space<hbm>> -> memref<1x32x1024xf32, #tpu.memory_space<hbm>>
    %dma_start3A_248 = tpu.memref_squeeze %dma_start3A_247 : memref<1x32x1024xf32, #tpu.memory_space<hbm>> -> memref<32x1024xf32, #tpu.memory_space<hbm>>
    tpu.enqueue_dma source(%arg4 : memref<32x1024xf32, #tpu.memory_space<vmem>>) target(%dma_start3A_248 : memref<32x1024xf32, #tpu.memory_space<hbm>>) target_semaphore(%arg7 : memref<!tpu.dma_semaphore, #tpu.memory_space<semaphore_mem>>)
    %dma_wait3A_249 = arith.constant 0 : i32
    %dma_wait3A_250 = arith.constant 0 : i32
    %dma_wait3A_251 = tpu.memref_slice %arg3[%dma_wait3A_249, %add3A_36, %dma_wait3A_250] : memref<4x8192x1024xf32, #tpu.memory_space<hbm>> -> memref<1x32x1024xf32, #tpu.memory_space<hbm>>
    %dma_wait3A_252 = tpu.memref_squeeze %dma_wait3A_251 : memref<1x32x1024xf32, #tpu.memory_space<hbm>> -> memref<32x1024xf32, #tpu.memory_space<hbm>>
    %dma_wait3A_253 = arith.constant 0 : i32
    %dma_wait3A_254 = tpu.memref_slice %arg3[%dma_wait3A_249, %add3A_36, %dma_wait3A_253] : memref<4x8192x1024xf32, #tpu.memory_space<hbm>> -> memref<1x32x1024xf32, #tpu.memory_space<hbm>>
    %dma_wait3A_255 = tpu.memref_squeeze %dma_wait3A_254 : memref<1x32x1024xf32, #tpu.memory_space<hbm>> -> memref<32x1024xf32, #tpu.memory_space<hbm>>
    tpu.wait_dma2 semaphore(%arg7 : memref<!tpu.dma_semaphore, #tpu.memory_space<semaphore_mem>>) src(%arg4 : memref<32x1024xf32, #tpu.memory_space<vmem>>) dst(%dma_wait3A_255 : memref<32x1024xf32, #tpu.memory_space<hbm>>)
    %dma_wait3A_256 = arith.constant 1 : i32
    %dma_wait3A_257 = arith.constant 0 : i32
    %dma_wait3A_258 = tpu.memref_slice %arg3[%dma_wait3A_256, %add3A_38, %dma_wait3A_257] : memref<4x8192x1024xf32, #tpu.memory_space<hbm>> -> memref<1x32x1024xf32, #tpu.memory_space<hbm>>
    %dma_wait3A_259 = tpu.memref_squeeze %dma_wait3A_258 : memref<1x32x1024xf32, #tpu.memory_space<hbm>> -> memref<32x1024xf32, #tpu.memory_space<hbm>>
    %dma_wait3A_260 = arith.constant 0 : i32
    %dma_wait3A_261 = tpu.memref_slice %arg3[%dma_wait3A_256, %add3A_38, %dma_wait3A_260] : memref<4x8192x1024xf32, #tpu.memory_space<hbm>> -> memref<1x32x1024xf32, #tpu.memory_space<hbm>>
    %dma_wait3A_262 = tpu.memref_squeeze %dma_wait3A_261 : memref<1x32x1024xf32, #tpu.memory_space<hbm>> -> memref<32x1024xf32, #tpu.memory_space<hbm>>
    tpu.wait_dma2 semaphore(%arg7 : memref<!tpu.dma_semaphore, #tpu.memory_space<semaphore_mem>>) src(%arg4 : memref<32x1024xf32, #tpu.memory_space<vmem>>) dst(%dma_wait3A_262 : memref<32x1024xf32, #tpu.memory_space<hbm>>)
    %dma_wait3A_263 = arith.constant 2 : i32
    %dma_wait3A_264 = arith.constant 0 : i32
    %dma_wait3A_265 = tpu.memref_slice %arg3[%dma_wait3A_263, %add3A_40, %dma_wait3A_264] : memref<4x8192x1024xf32, #tpu.memory_space<hbm>> -> memref<1x32x1024xf32, #tpu.memory_space<hbm>>
    %dma_wait3A_266 = tpu.memref_squeeze %dma_wait3A_265 : memref<1x32x1024xf32, #tpu.memory_space<hbm>> -> memref<32x1024xf32, #tpu.memory_space<hbm>>
    %dma_wait3A_267 = arith.constant 0 : i32
    %dma_wait3A_268 = tpu.memref_slice %arg3[%dma_wait3A_263, %add3A_40, %dma_wait3A_267] : memref<4x8192x1024xf32, #tpu.memory_space<hbm>> -> memref<1x32x1024xf32, #tpu.memory_space<hbm>>
    %dma_wait3A_269 = tpu.memref_squeeze %dma_wait3A_268 : memref<1x32x1024xf32, #tpu.memory_space<hbm>> -> memref<32x1024xf32, #tpu.memory_space<hbm>>
    tpu.wait_dma2 semaphore(%arg7 : memref<!tpu.dma_semaphore, #tpu.memory_space<semaphore_mem>>) src(%arg4 : memref<32x1024xf32, #tpu.memory_space<vmem>>) dst(%dma_wait3A_269 : memref<32x1024xf32, #tpu.memory_space<hbm>>)
    %dma_wait3A_270 = arith.constant 3 : i32
    %dma_wait3A_271 = arith.constant 0 : i32
    %dma_wait3A_272 = tpu.memref_slice %arg3[%dma_wait3A_270, %add3A_42, %dma_wait3A_271] : memref<4x8192x1024xf32, #tpu.memory_space<hbm>> -> memref<1x32x1024xf32, #tpu.memory_space<hbm>>
    %dma_wait3A_273 = tpu.memref_squeeze %dma_wait3A_272 : memref<1x32x1024xf32, #tpu.memory_space<hbm>> -> memref<32x1024xf32, #tpu.memory_space<hbm>>
    %dma_wait3A_274 = arith.constant 0 : i32
    %dma_wait3A_275 = tpu.memref_slice %arg3[%dma_wait3A_270, %add3A_42, %dma_wait3A_274] : memref<4x8192x1024xf32, #tpu.memory_space<hbm>> -> memref<1x32x1024xf32, #tpu.memory_space<hbm>>
    %dma_wait3A_276 = tpu.memref_squeeze %dma_wait3A_275 : memref<1x32x1024xf32, #tpu.memory_space<hbm>> -> memref<32x1024xf32, #tpu.memory_space<hbm>>
    tpu.wait_dma2 semaphore(%arg7 : memref<!tpu.dma_semaphore, #tpu.memory_space<semaphore_mem>>) src(%arg4 : memref<32x1024xf32, #tpu.memory_space<vmem>>) dst(%dma_wait3A_276 : memref<32x1024xf32, #tpu.memory_space<hbm>>)
    %dma_start3A_277 = arith.constant 0 : i32
    %dma_start3A_278 = tpu.memref_slice %arg2[%add3A_12, %dma_start3A_277] : memref<8192x1024xf32, #tpu.memory_space<hbm>> -> memref<32x1024xf32, #tpu.memory_space<hbm>>
    %dma_start3A_279 = arith.constant 0 : i32
    %dma_start3A_280 = tpu.memref_slice %arg2[%add3A_12, %dma_start3A_279] : memref<8192x1024xf32, #tpu.memory_space<hbm>> -> memref<32x1024xf32, #tpu.memory_space<hbm>>
    tpu.enqueue_dma source(%dma_start3A_280 : memref<32x1024xf32, #tpu.memory_space<hbm>>) target(%arg4 : memref<32x1024xf32, #tpu.memory_space<vmem>>) target_semaphore(%arg6 : memref<!tpu.dma_semaphore, #tpu.memory_space<semaphore_mem>>)
    %dma_wait3A_281 = arith.constant 0 : i32
    %dma_wait3A_282 = tpu.memref_slice %arg2[%add3A_10, %dma_wait3A_281] : memref<8192x1024xf32, #tpu.memory_space<hbm>> -> memref<32x1024xf32, #tpu.memory_space<hbm>>
    %dma_wait3A_283 = arith.constant 0 : i32
    %dma_wait3A_284 = tpu.memref_slice %arg2[%add3A_10, %dma_wait3A_283] : memref<8192x1024xf32, #tpu.memory_space<hbm>> -> memref<32x1024xf32, #tpu.memory_space<hbm>>
    tpu.wait_dma2 semaphore(%arg6 : memref<!tpu.dma_semaphore, #tpu.memory_space<semaphore_mem>>) src(%dma_wait3A_284 : memref<32x1024xf32, #tpu.memory_space<hbm>>) dst(%arg5 : memref<32x1024xf32, #tpu.memory_space<vmem>>)
    %dma_start3A_285 = arith.constant 0 : i32
    %dma_start3A_286 = arith.constant 0 : i32
    %dma_start3A_287 = tpu.memref_slice %arg3[%dma_start3A_285, %add3A_44, %dma_start3A_286] : memref<4x8192x1024xf32, #tpu.memory_space<hbm>> -> memref<1x32x1024xf32, #tpu.memory_space<hbm>>
    %dma_start3A_288 = tpu.memref_squeeze %dma_start3A_287 : memref<1x32x1024xf32, #tpu.memory_space<hbm>> -> memref<32x1024xf32, #tpu.memory_space<hbm>>
    %dma_start3A_289 = arith.constant 0 : i32
    %dma_start3A_290 = tpu.memref_slice %arg3[%dma_start3A_285, %add3A_44, %dma_start3A_289] : memref<4x8192x1024xf32, #tpu.memory_space<hbm>> -> memref<1x32x1024xf32, #tpu.memory_space<hbm>>
    %dma_start3A_291 = tpu.memref_squeeze %dma_start3A_290 : memref<1x32x1024xf32, #tpu.memory_space<hbm>> -> memref<32x1024xf32, #tpu.memory_space<hbm>>
    tpu.enqueue_dma source(%arg5 : memref<32x1024xf32, #tpu.memory_space<vmem>>) target(%dma_start3A_291 : memref<32x1024xf32, #tpu.memory_space<hbm>>) target_semaphore(%arg7 : memref<!tpu.dma_semaphore, #tpu.memory_space<semaphore_mem>>)
    %dma_start3A_292 = arith.constant 1 : i32
    %dma_start3A_293 = arith.constant 0 : i32
    %dma_start3A_294 = tpu.memref_slice %arg3[%dma_start3A_292, %add3A_46, %dma_start3A_293] : memref<4x8192x1024xf32, #tpu.memory_space<hbm>> -> memref<1x32x1024xf32, #tpu.memory_space<hbm>>
    %dma_start3A_295 = tpu.memref_squeeze %dma_start3A_294 : memref<1x32x1024xf32, #tpu.memory_space<hbm>> -> memref<32x1024xf32, #tpu.memory_space<hbm>>
    %dma_start3A_296 = arith.constant 0 : i32
    %dma_start3A_297 = tpu.memref_slice %arg3[%dma_start3A_292, %add3A_46, %dma_start3A_296] : memref<4x8192x1024xf32, #tpu.memory_space<hbm>> -> memref<1x32x1024xf32, #tpu.memory_space<hbm>>
    %dma_start3A_298 = tpu.memref_squeeze %dma_start3A_297 : memref<1x32x1024xf32, #tpu.memory_space<hbm>> -> memref<32x1024xf32, #tpu.memory_space<hbm>>
    tpu.enqueue_dma source(%arg5 : memref<32x1024xf32, #tpu.memory_space<vmem>>) target(%dma_start3A_298 : memref<32x1024xf32, #tpu.memory_space<hbm>>) target_semaphore(%arg7 : memref<!tpu.dma_semaphore, #tpu.memory_space<semaphore_mem>>)
    %dma_start3A_299 = arith.constant 2 : i32
    %dma_start3A_300 = arith.constant 0 : i32
    %dma_start3A_301 = tpu.memref_slice %arg3[%dma_start3A_299, %add3A_48, %dma_start3A_300] : memref<4x8192x1024xf32, #tpu.memory_space<hbm>> -> memref<1x32x1024xf32, #tpu.memory_space<hbm>>
    %dma_start3A_302 = tpu.memref_squeeze %dma_start3A_301 : memref<1x32x1024xf32, #tpu.memory_space<hbm>> -> memref<32x1024xf32, #tpu.memory_space<hbm>>
    %dma_start3A_303 = arith.constant 0 : i32
    %dma_start3A_304 = tpu.memref_slice %arg3[%dma_start3A_299, %add3A_48, %dma_start3A_303] : memref<4x8192x1024xf32, #tpu.memory_space<hbm>> -> memref<1x32x1024xf32, #tpu.memory_space<hbm>>
    %dma_start3A_305 = tpu.memref_squeeze %dma_start3A_304 : memref<1x32x1024xf32, #tpu.memory_space<hbm>> -> memref<32x1024xf32, #tpu.memory_space<hbm>>
    tpu.enqueue_dma source(%arg5 : memref<32x1024xf32, #tpu.memory_space<vmem>>) target(%dma_start3A_305 : memref<32x1024xf32, #tpu.memory_space<hbm>>) target_semaphore(%arg7 : memref<!tpu.dma_semaphore, #tpu.memory_space<semaphore_mem>>)
    %dma_start3A_306 = arith.constant 3 : i32
    %dma_start3A_307 = arith.constant 0 : i32
    %dma_start3A_308 = tpu.memref_slice %arg3[%dma_start3A_306, %add3A_50, %dma_start3A_307] : memref<4x8192x1024xf32, #tpu.memory_space<hbm>> -> memref<1x32x1024xf32, #tpu.memory_space<hbm>>
    %dma_start3A_309 = tpu.memref_squeeze %dma_start3A_308 : memref<1x32x1024xf32, #tpu.memory_space<hbm>> -> memref<32x1024xf32, #tpu.memory_space<hbm>>
    %dma_start3A_310 = arith.constant 0 : i32
    %dma_start3A_311 = tpu.memref_slice %arg3[%dma_start3A_306, %add3A_50, %dma_start3A_310] : memref<4x8192x1024xf32, #tpu.memory_space<hbm>> -> memref<1x32x1024xf32, #tpu.memory_space<hbm>>
    %dma_start3A_312 = tpu.memref_squeeze %dma_start3A_311 : memref<1x32x1024xf32, #tpu.memory_space<hbm>> -> memref<32x1024xf32, #tpu.memory_space<hbm>>
    tpu.enqueue_dma source(%arg5 : memref<32x1024xf32, #tpu.memory_space<vmem>>) target(%dma_start3A_312 : memref<32x1024xf32, #tpu.memory_space<hbm>>) target_semaphore(%arg7 : memref<!tpu.dma_semaphore, #tpu.memory_space<semaphore_mem>>)
    %dma_wait3A_313 = arith.constant 0 : i32
    %dma_wait3A_314 = arith.constant 0 : i32
    %dma_wait3A_315 = tpu.memref_slice %arg3[%dma_wait3A_313, %add3A_44, %dma_wait3A_314] : memref<4x8192x1024xf32, #tpu.memory_space<hbm>> -> memref<1x32x1024xf32, #tpu.memory_space<hbm>>
    %dma_wait3A_316 = tpu.memref_squeeze %dma_wait3A_315 : memref<1x32x1024xf32, #tpu.memory_space<hbm>> -> memref<32x1024xf32, #tpu.memory_space<hbm>>
    %dma_wait3A_317 = arith.constant 0 : i32
    %dma_wait3A_318 = tpu.memref_slice %arg3[%dma_wait3A_313, %add3A_44, %dma_wait3A_317] : memref<4x8192x1024xf32, #tpu.memory_space<hbm>> -> memref<1x32x1024xf32, #tpu.memory_space<hbm>>
    %dma_wait3A_319 = tpu.memref_squeeze %dma_wait3A_318 : memref<1x32x1024xf32, #tpu.memory_space<hbm>> -> memref<32x1024xf32, #tpu.memory_space<hbm>>
    tpu.wait_dma2 semaphore(%arg7 : memref<!tpu.dma_semaphore, #tpu.memory_space<semaphore_mem>>) src(%arg5 : memref<32x1024xf32, #tpu.memory_space<vmem>>) dst(%dma_wait3A_319 : memref<32x1024xf32, #tpu.memory_space<hbm>>)
    %dma_wait3A_320 = arith.constant 1 : i32
    %dma_wait3A_321 = arith.constant 0 : i32
    %dma_wait3A_322 = tpu.memref_slice %arg3[%dma_wait3A_320, %add3A_46, %dma_wait3A_321] : memref<4x8192x1024xf32, #tpu.memory_space<hbm>> -> memref<1x32x1024xf32, #tpu.memory_space<hbm>>
    %dma_wait3A_323 = tpu.memref_squeeze %dma_wait3A_322 : memref<1x32x1024xf32, #tpu.memory_space<hbm>> -> memref<32x1024xf32, #tpu.memory_space<hbm>>
    %dma_wait3A_324 = arith.constant 0 : i32
    %dma_wait3A_325 = tpu.memref_slice %arg3[%dma_wait3A_320, %add3A_46, %dma_wait3A_324] : memref<4x8192x1024xf32, #tpu.memory_space<hbm>> -> memref<1x32x1024xf32, #tpu.memory_space<hbm>>
    %dma_wait3A_326 = tpu.memref_squeeze %dma_wait3A_325 : memref<1x32x1024xf32, #tpu.memory_space<hbm>> -> memref<32x1024xf32, #tpu.memory_space<hbm>>
    tpu.wait_dma2 semaphore(%arg7 : memref<!tpu.dma_semaphore, #tpu.memory_space<semaphore_mem>>) src(%arg5 : memref<32x1024xf32, #tpu.memory_space<vmem>>) dst(%dma_wait3A_326 : memref<32x1024xf32, #tpu.memory_space<hbm>>)
    %dma_wait3A_327 = arith.constant 2 : i32
    %dma_wait3A_328 = arith.constant 0 : i32
    %dma_wait3A_329 = tpu.memref_slice %arg3[%dma_wait3A_327, %add3A_48, %dma_wait3A_328] : memref<4x8192x1024xf32, #tpu.memory_space<hbm>> -> memref<1x32x1024xf32, #tpu.memory_space<hbm>>
    %dma_wait3A_330 = tpu.memref_squeeze %dma_wait3A_329 : memref<1x32x1024xf32, #tpu.memory_space<hbm>> -> memref<32x1024xf32, #tpu.memory_space<hbm>>
    %dma_wait3A_331 = arith.constant 0 : i32
    %dma_wait3A_332 = tpu.memref_slice %arg3[%dma_wait3A_327, %add3A_48, %dma_wait3A_331] : memref<4x8192x1024xf32, #tpu.memory_space<hbm>> -> memref<1x32x1024xf32, #tpu.memory_space<hbm>>
    %dma_wait3A_333 = tpu.memref_squeeze %dma_wait3A_332 : memref<1x32x1024xf32, #tpu.memory_space<hbm>> -> memref<32x1024xf32, #tpu.memory_space<hbm>>
    tpu.wait_dma2 semaphore(%arg7 : memref<!tpu.dma_semaphore, #tpu.memory_space<semaphore_mem>>) src(%arg5 : memref<32x1024xf32, #tpu.memory_space<vmem>>) dst(%dma_wait3A_333 : memref<32x1024xf32, #tpu.memory_space<hbm>>)
    %dma_wait3A_334 = arith.constant 3 : i32
    %dma_wait3A_335 = arith.constant 0 : i32
    %dma_wait3A_336 = tpu.memref_slice %arg3[%dma_wait3A_334, %add3A_50, %dma_wait3A_335] : memref<4x8192x1024xf32, #tpu.memory_space<hbm>> -> memref<1x32x1024xf32, #tpu.memory_space<hbm>>
    %dma_wait3A_337 = tpu.memref_squeeze %dma_wait3A_336 : memref<1x32x1024xf32, #tpu.memory_space<hbm>> -> memref<32x1024xf32, #tpu.memory_space<hbm>>
    %dma_wait3A_338 = arith.constant 0 : i32
    %dma_wait3A_339 = tpu.memref_slice %arg3[%dma_wait3A_334, %add3A_50, %dma_wait3A_338] : memref<4x8192x1024xf32, #tpu.memory_space<hbm>> -> memref<1x32x1024xf32, #tpu.memory_space<hbm>>
    %dma_wait3A_340 = tpu.memref_squeeze %dma_wait3A_339 : memref<1x32x1024xf32, #tpu.memory_space<hbm>> -> memref<32x1024xf32, #tpu.memory_space<hbm>>
    tpu.wait_dma2 semaphore(%arg7 : memref<!tpu.dma_semaphore, #tpu.memory_space<semaphore_mem>>) src(%arg5 : memref<32x1024xf32, #tpu.memory_space<vmem>>) dst(%dma_wait3A_340 : memref<32x1024xf32, #tpu.memory_space<hbm>>)
    %dma_start3A_341 = arith.constant 0 : i32
    %dma_start3A_342 = tpu.memref_slice %arg2[%add3A_14, %dma_start3A_341] : memref<8192x1024xf32, #tpu.memory_space<hbm>> -> memref<32x1024xf32, #tpu.memory_space<hbm>>
    %dma_start3A_343 = arith.constant 0 : i32
    %dma_start3A_344 = tpu.memref_slice %arg2[%add3A_14, %dma_start3A_343] : memref<8192x1024xf32, #tpu.memory_space<hbm>> -> memref<32x1024xf32, #tpu.memory_space<hbm>>
    tpu.enqueue_dma source(%dma_start3A_344 : memref<32x1024xf32, #tpu.memory_space<hbm>>) target(%arg5 : memref<32x1024xf32, #tpu.memory_space<vmem>>) target_semaphore(%arg6 : memref<!tpu.dma_semaphore, #tpu.memory_space<semaphore_mem>>)
    %dma_wait3A_345 = arith.constant 0 : i32
    %dma_wait3A_346 = tpu.memref_slice %arg2[%add3A_12, %dma_wait3A_345] : memref<8192x1024xf32, #tpu.memory_space<hbm>> -> memref<32x1024xf32, #tpu.memory_space<hbm>>
    %dma_wait3A_347 = arith.constant 0 : i32
    %dma_wait3A_348 = tpu.memref_slice %arg2[%add3A_12, %dma_wait3A_347] : memref<8192x1024xf32, #tpu.memory_space<hbm>> -> memref<32x1024xf32, #tpu.memory_space<hbm>>
    tpu.wait_dma2 semaphore(%arg6 : memref<!tpu.dma_semaphore, #tpu.memory_space<semaphore_mem>>) src(%dma_wait3A_348 : memref<32x1024xf32, #tpu.memory_space<hbm>>) dst(%arg4 : memref<32x1024xf32, #tpu.memory_space<vmem>>)
    %dma_start3A_349 = arith.constant 0 : i32
    %dma_start3A_350 = arith.constant 0 : i32
    %dma_start3A_351 = tpu.memref_slice %arg3[%dma_start3A_349, %add3A_52, %dma_start3A_350] : memref<4x8192x1024xf32, #tpu.memory_space<hbm>> -> memref<1x32x1024xf32, #tpu.memory_space<hbm>>
    %dma_start3A_352 = tpu.memref_squeeze %dma_start3A_351 : memref<1x32x1024xf32, #tpu.memory_space<hbm>> -> memref<32x1024xf32, #tpu.memory_space<hbm>>
    %dma_start3A_353 = arith.constant 0 : i32
    %dma_start3A_354 = tpu.memref_slice %arg3[%dma_start3A_349, %add3A_52, %dma_start3A_353] : memref<4x8192x1024xf32, #tpu.memory_space<hbm>> -> memref<1x32x1024xf32, #tpu.memory_space<hbm>>
    %dma_start3A_355 = tpu.memref_squeeze %dma_start3A_354 : memref<1x32x1024xf32, #tpu.memory_space<hbm>> -> memref<32x1024xf32, #tpu.memory_space<hbm>>
    tpu.enqueue_dma source(%arg4 : memref<32x1024xf32, #tpu.memory_space<vmem>>) target(%dma_start3A_355 : memref<32x1024xf32, #tpu.memory_space<hbm>>) target_semaphore(%arg7 : memref<!tpu.dma_semaphore, #tpu.memory_space<semaphore_mem>>)
    %dma_start3A_356 = arith.constant 1 : i32
    %dma_start3A_357 = arith.constant 0 : i32
    %dma_start3A_358 = tpu.memref_slice %arg3[%dma_start3A_356, %add3A_54, %dma_start3A_357] : memref<4x8192x1024xf32, #tpu.memory_space<hbm>> -> memref<1x32x1024xf32, #tpu.memory_space<hbm>>
    %dma_start3A_359 = tpu.memref_squeeze %dma_start3A_358 : memref<1x32x1024xf32, #tpu.memory_space<hbm>> -> memref<32x1024xf32, #tpu.memory_space<hbm>>
    %dma_start3A_360 = arith.constant 0 : i32
    %dma_start3A_361 = tpu.memref_slice %arg3[%dma_start3A_356, %add3A_54, %dma_start3A_360] : memref<4x8192x1024xf32, #tpu.memory_space<hbm>> -> memref<1x32x1024xf32, #tpu.memory_space<hbm>>
    %dma_start3A_362 = tpu.memref_squeeze %dma_start3A_361 : memref<1x32x1024xf32, #tpu.memory_space<hbm>> -> memref<32x1024xf32, #tpu.memory_space<hbm>>
    tpu.enqueue_dma source(%arg4 : memref<32x1024xf32, #tpu.memory_space<vmem>>) target(%dma_start3A_362 : memref<32x1024xf32, #tpu.memory_space<hbm>>) target_semaphore(%arg7 : memref<!tpu.dma_semaphore, #tpu.memory_space<semaphore_mem>>)
    %dma_start3A_363 = arith.constant 2 : i32
    %dma_start3A_364 = arith.constant 0 : i32
    %dma_start3A_365 = tpu.memref_slice %arg3[%dma_start3A_363, %add3A_56, %dma_start3A_364] : memref<4x8192x1024xf32, #tpu.memory_space<hbm>> -> memref<1x32x1024xf32, #tpu.memory_space<hbm>>
    %dma_start3A_366 = tpu.memref_squeeze %dma_start3A_365 : memref<1x32x1024xf32, #tpu.memory_space<hbm>> -> memref<32x1024xf32, #tpu.memory_space<hbm>>
    %dma_start3A_367 = arith.constant 0 : i32
    %dma_start3A_368 = tpu.memref_slice %arg3[%dma_start3A_363, %add3A_56, %dma_start3A_367] : memref<4x8192x1024xf32, #tpu.memory_space<hbm>> -> memref<1x32x1024xf32, #tpu.memory_space<hbm>>
    %dma_start3A_369 = tpu.memref_squeeze %dma_start3A_368 : memref<1x32x1024xf32, #tpu.memory_space<hbm>> -> memref<32x1024xf32, #tpu.memory_space<hbm>>
    tpu.enqueue_dma source(%arg4 : memref<32x1024xf32, #tpu.memory_space<vmem>>) target(%dma_start3A_369 : memref<32x1024xf32, #tpu.memory_space<hbm>>) target_semaphore(%arg7 : memref<!tpu.dma_semaphore, #tpu.memory_space<semaphore_mem>>)
    %dma_start3A_370 = arith.constant 3 : i32
    %dma_start3A_371 = arith.constant 0 : i32
    %dma_start3A_372 = tpu.memref_slice %arg3[%dma_start3A_370, %add3A_58, %dma_start3A_371] : memref<4x8192x1024xf32, #tpu.memory_space<hbm>> -> memref<1x32x1024xf32, #tpu.memory_space<hbm>>
    %dma_start3A_373 = tpu.memref_squeeze %dma_start3A_372 : memref<1x32x1024xf32, #tpu.memory_space<hbm>> -> memref<32x1024xf32, #tpu.memory_space<hbm>>
    %dma_start3A_374 = arith.constant 0 : i32
    %dma_start3A_375 = tpu.memref_slice %arg3[%dma_start3A_370, %add3A_58, %dma_start3A_374] : memref<4x8192x1024xf32, #tpu.memory_space<hbm>> -> memref<1x32x1024xf32, #tpu.memory_space<hbm>>
    %dma_start3A_376 = tpu.memref_squeeze %dma_start3A_375 : memref<1x32x1024xf32, #tpu.memory_space<hbm>> -> memref<32x1024xf32, #tpu.memory_space<hbm>>
    tpu.enqueue_dma source(%arg4 : memref<32x1024xf32, #tpu.memory_space<vmem>>) target(%dma_start3A_376 : memref<32x1024xf32, #tpu.memory_space<hbm>>) target_semaphore(%arg7 : memref<!tpu.dma_semaphore, #tpu.memory_space<semaphore_mem>>)
    %dma_wait3A_377 = arith.constant 0 : i32
    %dma_wait3A_378 = arith.constant 0 : i32
    %dma_wait3A_379 = tpu.memref_slice %arg3[%dma_wait3A_377, %add3A_52, %dma_wait3A_378] : memref<4x8192x1024xf32, #tpu.memory_space<hbm>> -> memref<1x32x1024xf32, #tpu.memory_space<hbm>>
    %dma_wait3A_380 = tpu.memref_squeeze %dma_wait3A_379 : memref<1x32x1024xf32, #tpu.memory_space<hbm>> -> memref<32x1024xf32, #tpu.memory_space<hbm>>
    %dma_wait3A_381 = arith.constant 0 : i32
    %dma_wait3A_382 = tpu.memref_slice %arg3[%dma_wait3A_377, %add3A_52, %dma_wait3A_381] : memref<4x8192x1024xf32, #tpu.memory_space<hbm>> -> memref<1x32x1024xf32, #tpu.memory_space<hbm>>
    %dma_wait3A_383 = tpu.memref_squeeze %dma_wait3A_382 : memref<1x32x1024xf32, #tpu.memory_space<hbm>> -> memref<32x1024xf32, #tpu.memory_space<hbm>>
    tpu.wait_dma2 semaphore(%arg7 : memref<!tpu.dma_semaphore, #tpu.memory_space<semaphore_mem>>) src(%arg4 : memref<32x1024xf32, #tpu.memory_space<vmem>>) dst(%dma_wait3A_383 : memref<32x1024xf32, #tpu.memory_space<hbm>>)
    %dma_wait3A_384 = arith.constant 1 : i32
    %dma_wait3A_385 = arith.constant 0 : i32
    %dma_wait3A_386 = tpu.memref_slice %arg3[%dma_wait3A_384, %add3A_54, %dma_wait3A_385] : memref<4x8192x1024xf32, #tpu.memory_space<hbm>> -> memref<1x32x1024xf32, #tpu.memory_space<hbm>>
    %dma_wait3A_387 = tpu.memref_squeeze %dma_wait3A_386 : memref<1x32x1024xf32, #tpu.memory_space<hbm>> -> memref<32x1024xf32, #tpu.memory_space<hbm>>
    %dma_wait3A_388 = arith.constant 0 : i32
    %dma_wait3A_389 = tpu.memref_slice %arg3[%dma_wait3A_384, %add3A_54, %dma_wait3A_388] : memref<4x8192x1024xf32, #tpu.memory_space<hbm>> -> memref<1x32x1024xf32, #tpu.memory_space<hbm>>
    %dma_wait3A_390 = tpu.memref_squeeze %dma_wait3A_389 : memref<1x32x1024xf32, #tpu.memory_space<hbm>> -> memref<32x1024xf32, #tpu.memory_space<hbm>>
    tpu.wait_dma2 semaphore(%arg7 : memref<!tpu.dma_semaphore, #tpu.memory_space<semaphore_mem>>) src(%arg4 : memref<32x1024xf32, #tpu.memory_space<vmem>>) dst(%dma_wait3A_390 : memref<32x1024xf32, #tpu.memory_space<hbm>>)
    %dma_wait3A_391 = arith.constant 2 : i32
    %dma_wait3A_392 = arith.constant 0 : i32
    %dma_wait3A_393 = tpu.memref_slice %arg3[%dma_wait3A_391, %add3A_56, %dma_wait3A_392] : memref<4x8192x1024xf32, #tpu.memory_space<hbm>> -> memref<1x32x1024xf32, #tpu.memory_space<hbm>>
    %dma_wait3A_394 = tpu.memref_squeeze %dma_wait3A_393 : memref<1x32x1024xf32, #tpu.memory_space<hbm>> -> memref<32x1024xf32, #tpu.memory_space<hbm>>
    %dma_wait3A_395 = arith.constant 0 : i32
    %dma_wait3A_396 = tpu.memref_slice %arg3[%dma_wait3A_391, %add3A_56, %dma_wait3A_395] : memref<4x8192x1024xf32, #tpu.memory_space<hbm>> -> memref<1x32x1024xf32, #tpu.memory_space<hbm>>
    %dma_wait3A_397 = tpu.memref_squeeze %dma_wait3A_396 : memref<1x32x1024xf32, #tpu.memory_space<hbm>> -> memref<32x1024xf32, #tpu.memory_space<hbm>>
    tpu.wait_dma2 semaphore(%arg7 : memref<!tpu.dma_semaphore, #tpu.memory_space<semaphore_mem>>) src(%arg4 : memref<32x1024xf32, #tpu.memory_space<vmem>>) dst(%dma_wait3A_397 : memref<32x1024xf32, #tpu.memory_space<hbm>>)
    %dma_wait3A_398 = arith.constant 3 : i32
    %dma_wait3A_399 = arith.constant 0 : i32
    %dma_wait3A_400 = tpu.memref_slice %arg3[%dma_wait3A_398, %add3A_58, %dma_wait3A_399] : memref<4x8192x1024xf32, #tpu.memory_space<hbm>> -> memref<1x32x1024xf32, #tpu.memory_space<hbm>>
    %dma_wait3A_401 = tpu.memref_squeeze %dma_wait3A_400 : memref<1x32x1024xf32, #tpu.memory_space<hbm>> -> memref<32x1024xf32, #tpu.memory_space<hbm>>
    %dma_wait3A_402 = arith.constant 0 : i32
    %dma_wait3A_403 = tpu.memref_slice %arg3[%dma_wait3A_398, %add3A_58, %dma_wait3A_402] : memref<4x8192x1024xf32, #tpu.memory_space<hbm>> -> memref<1x32x1024xf32, #tpu.memory_space<hbm>>
    %dma_wait3A_404 = tpu.memref_squeeze %dma_wait3A_403 : memref<1x32x1024xf32, #tpu.memory_space<hbm>> -> memref<32x1024xf32, #tpu.memory_space<hbm>>
    tpu.wait_dma2 semaphore(%arg7 : memref<!tpu.dma_semaphore, #tpu.memory_space<semaphore_mem>>) src(%arg4 : memref<32x1024xf32, #tpu.memory_space<vmem>>) dst(%dma_wait3A_404 : memref<32x1024xf32, #tpu.memory_space<hbm>>)
    %dma_start3A_405 = arith.constant 0 : i32
    %dma_start3A_406 = tpu.memref_slice %arg2[%add3A_16, %dma_start3A_405] : memref<8192x1024xf32, #tpu.memory_space<hbm>> -> memref<32x1024xf32, #tpu.memory_space<hbm>>
    %dma_start3A_407 = arith.constant 0 : i32
    %dma_start3A_408 = tpu.memref_slice %arg2[%add3A_16, %dma_start3A_407] : memref<8192x1024xf32, #tpu.memory_space<hbm>> -> memref<32x1024xf32, #tpu.memory_space<hbm>>
    tpu.enqueue_dma source(%dma_start3A_408 : memref<32x1024xf32, #tpu.memory_space<hbm>>) target(%arg4 : memref<32x1024xf32, #tpu.memory_space<vmem>>) target_semaphore(%arg6 : memref<!tpu.dma_semaphore, #tpu.memory_space<semaphore_mem>>)
    %dma_wait3A_409 = arith.constant 0 : i32
    %dma_wait3A_410 = tpu.memref_slice %arg2[%add3A_14, %dma_wait3A_409] : memref<8192x1024xf32, #tpu.memory_space<hbm>> -> memref<32x1024xf32, #tpu.memory_space<hbm>>
    %dma_wait3A_411 = arith.constant 0 : i32
    %dma_wait3A_412 = tpu.memref_slice %arg2[%add3A_14, %dma_wait3A_411] : memref<8192x1024xf32, #tpu.memory_space<hbm>> -> memref<32x1024xf32, #tpu.memory_space<hbm>>
    tpu.wait_dma2 semaphore(%arg6 : memref<!tpu.dma_semaphore, #tpu.memory_space<semaphore_mem>>) src(%dma_wait3A_412 : memref<32x1024xf32, #tpu.memory_space<hbm>>) dst(%arg5 : memref<32x1024xf32, #tpu.memory_space<vmem>>)
    %dma_start3A_413 = arith.constant 0 : i32
    %dma_start3A_414 = arith.constant 0 : i32
    %dma_start3A_415 = tpu.memref_slice %arg3[%dma_start3A_413, %add3A_60, %dma_start3A_414] : memref<4x8192x1024xf32, #tpu.memory_space<hbm>> -> memref<1x32x1024xf32, #tpu.memory_space<hbm>>
    %dma_start3A_416 = tpu.memref_squeeze %dma_start3A_415 : memref<1x32x1024xf32, #tpu.memory_space<hbm>> -> memref<32x1024xf32, #tpu.memory_space<hbm>>
    %dma_start3A_417 = arith.constant 0 : i32
    %dma_start3A_418 = tpu.memref_slice %arg3[%dma_start3A_413, %add3A_60, %dma_start3A_417] : memref<4x8192x1024xf32, #tpu.memory_space<hbm>> -> memref<1x32x1024xf32, #tpu.memory_space<hbm>>
    %dma_start3A_419 = tpu.memref_squeeze %dma_start3A_418 : memref<1x32x1024xf32, #tpu.memory_space<hbm>> -> memref<32x1024xf32, #tpu.memory_space<hbm>>
    tpu.enqueue_dma source(%arg5 : memref<32x1024xf32, #tpu.memory_space<vmem>>) target(%dma_start3A_419 : memref<32x1024xf32, #tpu.memory_space<hbm>>) target_semaphore(%arg7 : memref<!tpu.dma_semaphore, #tpu.memory_space<semaphore_mem>>)
    %dma_start3A_420 = arith.constant 1 : i32
    %dma_start3A_421 = arith.constant 0 : i32
    %dma_start3A_422 = tpu.memref_slice %arg3[%dma_start3A_420, %add3A_62, %dma_start3A_421] : memref<4x8192x1024xf32, #tpu.memory_space<hbm>> -> memref<1x32x1024xf32, #tpu.memory_space<hbm>>
    %dma_start3A_423 = tpu.memref_squeeze %dma_start3A_422 : memref<1x32x1024xf32, #tpu.memory_space<hbm>> -> memref<32x1024xf32, #tpu.memory_space<hbm>>
    %dma_start3A_424 = arith.constant 0 : i32
    %dma_start3A_425 = tpu.memref_slice %arg3[%dma_start3A_420, %add3A_62, %dma_start3A_424] : memref<4x8192x1024xf32, #tpu.memory_space<hbm>> -> memref<1x32x1024xf32, #tpu.memory_space<hbm>>
    %dma_start3A_426 = tpu.memref_squeeze %dma_start3A_425 : memref<1x32x1024xf32, #tpu.memory_space<hbm>> -> memref<32x1024xf32, #tpu.memory_space<hbm>>
    tpu.enqueue_dma source(%arg5 : memref<32x1024xf32, #tpu.memory_space<vmem>>) target(%dma_start3A_426 : memref<32x1024xf32, #tpu.memory_space<hbm>>) target_semaphore(%arg7 : memref<!tpu.dma_semaphore, #tpu.memory_space<semaphore_mem>>)
    %dma_start3A_427 = arith.constant 2 : i32
    %dma_start3A_428 = arith.constant 0 : i32
    %dma_start3A_429 = tpu.memref_slice %arg3[%dma_start3A_427, %add3A_64, %dma_start3A_428] : memref<4x8192x1024xf32, #tpu.memory_space<hbm>> -> memref<1x32x1024xf32, #tpu.memory_space<hbm>>
    %dma_start3A_430 = tpu.memref_squeeze %dma_start3A_429 : memref<1x32x1024xf32, #tpu.memory_space<hbm>> -> memref<32x1024xf32, #tpu.memory_space<hbm>>
    %dma_start3A_431 = arith.constant 0 : i32
    %dma_start3A_432 = tpu.memref_slice %arg3[%dma_start3A_427, %add3A_64, %dma_start3A_431] : memref<4x8192x1024xf32, #tpu.memory_space<hbm>> -> memref<1x32x1024xf32, #tpu.memory_space<hbm>>
    %dma_start3A_433 = tpu.memref_squeeze %dma_start3A_432 : memref<1x32x1024xf32, #tpu.memory_space<hbm>> -> memref<32x1024xf32, #tpu.memory_space<hbm>>
    tpu.enqueue_dma source(%arg5 : memref<32x1024xf32, #tpu.memory_space<vmem>>) target(%dma_start3A_433 : memref<32x1024xf32, #tpu.memory_space<hbm>>) target_semaphore(%arg7 : memref<!tpu.dma_semaphore, #tpu.memory_space<semaphore_mem>>)
    %dma_start3A_434 = arith.constant 3 : i32
    %dma_start3A_435 = arith.constant 0 : i32
    %dma_start3A_436 = tpu.memref_slice %arg3[%dma_start3A_434, %add3A_66, %dma_start3A_435] : memref<4x8192x1024xf32, #tpu.memory_space<hbm>> -> memref<1x32x1024xf32, #tpu.memory_space<hbm>>
    %dma_start3A_437 = tpu.memref_squeeze %dma_start3A_436 : memref<1x32x1024xf32, #tpu.memory_space<hbm>> -> memref<32x1024xf32, #tpu.memory_space<hbm>>
    %dma_start3A_438 = arith.constant 0 : i32
    %dma_start3A_439 = tpu.memref_slice %arg3[%dma_start3A_434, %add3A_66, %dma_start3A_438] : memref<4x8192x1024xf32, #tpu.memory_space<hbm>> -> memref<1x32x1024xf32, #tpu.memory_space<hbm>>
    %dma_start3A_440 = tpu.memref_squeeze %dma_start3A_439 : memref<1x32x1024xf32, #tpu.memory_space<hbm>> -> memref<32x1024xf32, #tpu.memory_space<hbm>>
    tpu.enqueue_dma source(%arg5 : memref<32x1024xf32, #tpu.memory_space<vmem>>) target(%dma_start3A_440 : memref<32x1024xf32, #tpu.memory_space<hbm>>) target_semaphore(%arg7 : memref<!tpu.dma_semaphore, #tpu.memory_space<semaphore_mem>>)
    %dma_wait3A_441 = arith.constant 0 : i32
    %dma_wait3A_442 = arith.constant 0 : i32
    %dma_wait3A_443 = tpu.memref_slice %arg3[%dma_wait3A_441, %add3A_60, %dma_wait3A_442] : memref<4x8192x1024xf32, #tpu.memory_space<hbm>> -> memref<1x32x1024xf32, #tpu.memory_space<hbm>>
    %dma_wait3A_444 = tpu.memref_squeeze %dma_wait3A_443 : memref<1x32x1024xf32, #tpu.memory_space<hbm>> -> memref<32x1024xf32, #tpu.memory_space<hbm>>
    %dma_wait3A_445 = arith.constant 0 : i32
    %dma_wait3A_446 = tpu.memref_slice %arg3[%dma_wait3A_441, %add3A_60, %dma_wait3A_445] : memref<4x8192x1024xf32, #tpu.memory_space<hbm>> -> memref<1x32x1024xf32, #tpu.memory_space<hbm>>
    %dma_wait3A_447 = tpu.memref_squeeze %dma_wait3A_446 : memref<1x32x1024xf32, #tpu.memory_space<hbm>> -> memref<32x1024xf32, #tpu.memory_space<hbm>>
    tpu.wait_dma2 semaphore(%arg7 : memref<!tpu.dma_semaphore, #tpu.memory_space<semaphore_mem>>) src(%arg5 : memref<32x1024xf32, #tpu.memory_space<vmem>>) dst(%dma_wait3A_447 : memref<32x1024xf32, #tpu.memory_space<hbm>>)
    %dma_wait3A_448 = arith.constant 1 : i32
    %dma_wait3A_449 = arith.constant 0 : i32
    %dma_wait3A_450 = tpu.memref_slice %arg3[%dma_wait3A_448, %add3A_62, %dma_wait3A_449] : memref<4x8192x1024xf32, #tpu.memory_space<hbm>> -> memref<1x32x1024xf32, #tpu.memory_space<hbm>>
    %dma_wait3A_451 = tpu.memref_squeeze %dma_wait3A_450 : memref<1x32x1024xf32, #tpu.memory_space<hbm>> -> memref<32x1024xf32, #tpu.memory_space<hbm>>
    %dma_wait3A_452 = arith.constant 0 : i32
    %dma_wait3A_453 = tpu.memref_slice %arg3[%dma_wait3A_448, %add3A_62, %dma_wait3A_452] : memref<4x8192x1024xf32, #tpu.memory_space<hbm>> -> memref<1x32x1024xf32, #tpu.memory_space<hbm>>
    %dma_wait3A_454 = tpu.memref_squeeze %dma_wait3A_453 : memref<1x32x1024xf32, #tpu.memory_space<hbm>> -> memref<32x1024xf32, #tpu.memory_space<hbm>>
    tpu.wait_dma2 semaphore(%arg7 : memref<!tpu.dma_semaphore, #tpu.memory_space<semaphore_mem>>) src(%arg5 : memref<32x1024xf32, #tpu.memory_space<vmem>>) dst(%dma_wait3A_454 : memref<32x1024xf32, #tpu.memory_space<hbm>>)
    %dma_wait3A_455 = arith.constant 2 : i32
    %dma_wait3A_456 = arith.constant 0 : i32
    %dma_wait3A_457 = tpu.memref_slice %arg3[%dma_wait3A_455, %add3A_64, %dma_wait3A_456] : memref<4x8192x1024xf32, #tpu.memory_space<hbm>> -> memref<1x32x1024xf32, #tpu.memory_space<hbm>>
    %dma_wait3A_458 = tpu.memref_squeeze %dma_wait3A_457 : memref<1x32x1024xf32, #tpu.memory_space<hbm>> -> memref<32x1024xf32, #tpu.memory_space<hbm>>
    %dma_wait3A_459 = arith.constant 0 : i32
    %dma_wait3A_460 = tpu.memref_slice %arg3[%dma_wait3A_455, %add3A_64, %dma_wait3A_459] : memref<4x8192x1024xf32, #tpu.memory_space<hbm>> -> memref<1x32x1024xf32, #tpu.memory_space<hbm>>
    %dma_wait3A_461 = tpu.memref_squeeze %dma_wait3A_460 : memref<1x32x1024xf32, #tpu.memory_space<hbm>> -> memref<32x1024xf32, #tpu.memory_space<hbm>>
    tpu.wait_dma2 semaphore(%arg7 : memref<!tpu.dma_semaphore, #tpu.memory_space<semaphore_mem>>) src(%arg5 : memref<32x1024xf32, #tpu.memory_space<vmem>>) dst(%dma_wait3A_461 : memref<32x1024xf32, #tpu.memory_space<hbm>>)
    %dma_wait3A_462 = arith.constant 3 : i32
    %dma_wait3A_463 = arith.constant 0 : i32
    %dma_wait3A_464 = tpu.memref_slice %arg3[%dma_wait3A_462, %add3A_66, %dma_wait3A_463] : memref<4x8192x1024xf32, #tpu.memory_space<hbm>> -> memref<1x32x1024xf32, #tpu.memory_space<hbm>>
    %dma_wait3A_465 = tpu.memref_squeeze %dma_wait3A_464 : memref<1x32x1024xf32, #tpu.memory_space<hbm>> -> memref<32x1024xf32, #tpu.memory_space<hbm>>
    %dma_wait3A_466 = arith.constant 0 : i32
    %dma_wait3A_467 = tpu.memref_slice %arg3[%dma_wait3A_462, %add3A_66, %dma_wait3A_466] : memref<4x8192x1024xf32, #tpu.memory_space<hbm>> -> memref<1x32x1024xf32, #tpu.memory_space<hbm>>
    %dma_wait3A_468 = tpu.memref_squeeze %dma_wait3A_467 : memref<1x32x1024xf32, #tpu.memory_space<hbm>> -> memref<32x1024xf32, #tpu.memory_space<hbm>>
    tpu.wait_dma2 semaphore(%arg7 : memref<!tpu.dma_semaphore, #tpu.memory_space<semaphore_mem>>) src(%arg5 : memref<32x1024xf32, #tpu.memory_space<vmem>>) dst(%dma_wait3A_468 : memref<32x1024xf32, #tpu.memory_space<hbm>>)
    %dma_start3A_469 = arith.constant 0 : i32
    %dma_start3A_470 = tpu.memref_slice %arg2[%add3A_18, %dma_start3A_469] : memref<8192x1024xf32, #tpu.memory_space<hbm>> -> memref<32x1024xf32, #tpu.memory_space<hbm>>
    %dma_start3A_471 = arith.constant 0 : i32
    %dma_start3A_472 = tpu.memref_slice %arg2[%add3A_18, %dma_start3A_471] : memref<8192x1024xf32, #tpu.memory_space<hbm>> -> memref<32x1024xf32, #tpu.memory_space<hbm>>
    tpu.enqueue_dma source(%dma_start3A_472 : memref<32x1024xf32, #tpu.memory_space<hbm>>) target(%arg5 : memref<32x1024xf32, #tpu.memory_space<vmem>>) target_semaphore(%arg6 : memref<!tpu.dma_semaphore, #tpu.memory_space<semaphore_mem>>)
    %dma_wait3A_473 = arith.constant 0 : i32
    %dma_wait3A_474 = tpu.memref_slice %arg2[%add3A_16, %dma_wait3A_473] : memref<8192x1024xf32, #tpu.memory_space<hbm>> -> memref<32x1024xf32, #tpu.memory_space<hbm>>
    %dma_wait3A_475 = arith.constant 0 : i32
    %dma_wait3A_476 = tpu.memref_slice %arg2[%add3A_16, %dma_wait3A_475] : memref<8192x1024xf32, #tpu.memory_space<hbm>> -> memref<32x1024xf32, #tpu.memory_space<hbm>>
    tpu.wait_dma2 semaphore(%arg6 : memref<!tpu.dma_semaphore, #tpu.memory_space<semaphore_mem>>) src(%dma_wait3A_476 : memref<32x1024xf32, #tpu.memory_space<hbm>>) dst(%arg4 : memref<32x1024xf32, #tpu.memory_space<vmem>>)
    %dma_start3A_477 = arith.constant 0 : i32
    %dma_start3A_478 = arith.constant 0 : i32
    %dma_start3A_479 = tpu.memref_slice %arg3[%dma_start3A_477, %add3A_68, %dma_start3A_478] : memref<4x8192x1024xf32, #tpu.memory_space<hbm>> -> memref<1x32x1024xf32, #tpu.memory_space<hbm>>
    %dma_start3A_480 = tpu.memref_squeeze %dma_start3A_479 : memref<1x32x1024xf32, #tpu.memory_space<hbm>> -> memref<32x1024xf32, #tpu.memory_space<hbm>>
    %dma_start3A_481 = arith.constant 0 : i32
    %dma_start3A_482 = tpu.memref_slice %arg3[%dma_start3A_477, %add3A_68, %dma_start3A_481] : memref<4x8192x1024xf32, #tpu.memory_space<hbm>> -> memref<1x32x1024xf32, #tpu.memory_space<hbm>>
    %dma_start3A_483 = tpu.memref_squeeze %dma_start3A_482 : memref<1x32x1024xf32, #tpu.memory_space<hbm>> -> memref<32x1024xf32, #tpu.memory_space<hbm>>
    tpu.enqueue_dma source(%arg4 : memref<32x1024xf32, #tpu.memory_space<vmem>>) target(%dma_start3A_483 : memref<32x1024xf32, #tpu.memory_space<hbm>>) target_semaphore(%arg7 : memref<!tpu.dma_semaphore, #tpu.memory_space<semaphore_mem>>)
    %dma_start3A_484 = arith.constant 1 : i32
    %dma_start3A_485 = arith.constant 0 : i32
    %dma_start3A_486 = tpu.memref_slice %arg3[%dma_start3A_484, %add3A_70, %dma_start3A_485] : memref<4x8192x1024xf32, #tpu.memory_space<hbm>> -> memref<1x32x1024xf32, #tpu.memory_space<hbm>>
    %dma_start3A_487 = tpu.memref_squeeze %dma_start3A_486 : memref<1x32x1024xf32, #tpu.memory_space<hbm>> -> memref<32x1024xf32, #tpu.memory_space<hbm>>
    %dma_start3A_488 = arith.constant 0 : i32
    %dma_start3A_489 = tpu.memref_slice %arg3[%dma_start3A_484, %add3A_70, %dma_start3A_488] : memref<4x8192x1024xf32, #tpu.memory_space<hbm>> -> memref<1x32x1024xf32, #tpu.memory_space<hbm>>
    %dma_start3A_490 = tpu.memref_squeeze %dma_start3A_489 : memref<1x32x1024xf32, #tpu.memory_space<hbm>> -> memref<32x1024xf32, #tpu.memory_space<hbm>>
    tpu.enqueue_dma source(%arg4 : memref<32x1024xf32, #tpu.memory_space<vmem>>) target(%dma_start3A_490 : memref<32x1024xf32, #tpu.memory_space<hbm>>) target_semaphore(%arg7 : memref<!tpu.dma_semaphore, #tpu.memory_space<semaphore_mem>>)
    %dma_start3A_491 = arith.constant 2 : i32
    %dma_start3A_492 = arith.constant 0 : i32
    %dma_start3A_493 = tpu.memref_slice %arg3[%dma_start3A_491, %add3A_72, %dma_start3A_492] : memref<4x8192x1024xf32, #tpu.memory_space<hbm>> -> memref<1x32x1024xf32, #tpu.memory_space<hbm>>
    %dma_start3A_494 = tpu.memref_squeeze %dma_start3A_493 : memref<1x32x1024xf32, #tpu.memory_space<hbm>> -> memref<32x1024xf32, #tpu.memory_space<hbm>>
    %dma_start3A_495 = arith.constant 0 : i32
    %dma_start3A_496 = tpu.memref_slice %arg3[%dma_start3A_491, %add3A_72, %dma_start3A_495] : memref<4x8192x1024xf32, #tpu.memory_space<hbm>> -> memref<1x32x1024xf32, #tpu.memory_space<hbm>>
    %dma_start3A_497 = tpu.memref_squeeze %dma_start3A_496 : memref<1x32x1024xf32, #tpu.memory_space<hbm>> -> memref<32x1024xf32, #tpu.memory_space<hbm>>
    tpu.enqueue_dma source(%arg4 : memref<32x1024xf32, #tpu.memory_space<vmem>>) target(%dma_start3A_497 : memref<32x1024xf32, #tpu.memory_space<hbm>>) target_semaphore(%arg7 : memref<!tpu.dma_semaphore, #tpu.memory_space<semaphore_mem>>)
    %dma_start3A_498 = arith.constant 3 : i32
    %dma_start3A_499 = arith.constant 0 : i32
    %dma_start3A_500 = tpu.memref_slice %arg3[%dma_start3A_498, %add3A_74, %dma_start3A_499] : memref<4x8192x1024xf32, #tpu.memory_space<hbm>> -> memref<1x32x1024xf32, #tpu.memory_space<hbm>>
    %dma_start3A_501 = tpu.memref_squeeze %dma_start3A_500 : memref<1x32x1024xf32, #tpu.memory_space<hbm>> -> memref<32x1024xf32, #tpu.memory_space<hbm>>
    %dma_start3A_502 = arith.constant 0 : i32
    %dma_start3A_503 = tpu.memref_slice %arg3[%dma_start3A_498, %add3A_74, %dma_start3A_502] : memref<4x8192x1024xf32, #tpu.memory_space<hbm>> -> memref<1x32x1024xf32, #tpu.memory_space<hbm>>
    %dma_start3A_504 = tpu.memref_squeeze %dma_start3A_503 : memref<1x32x1024xf32, #tpu.memory_space<hbm>> -> memref<32x1024xf32, #tpu.memory_space<hbm>>
    tpu.enqueue_dma source(%arg4 : memref<32x1024xf32, #tpu.memory_space<vmem>>) target(%dma_start3A_504 : memref<32x1024xf32, #tpu.memory_space<hbm>>) target_semaphore(%arg7 : memref<!tpu.dma_semaphore, #tpu.memory_space<semaphore_mem>>)
    %dma_wait3A_505 = arith.constant 0 : i32
    %dma_wait3A_506 = tpu.memref_slice %arg2[%add3A_18, %dma_wait3A_505] : memref<8192x1024xf32, #tpu.memory_space<hbm>> -> memref<32x1024xf32, #tpu.memory_space<hbm>>
    %dma_wait3A_507 = arith.constant 0 : i32
    %dma_wait3A_508 = tpu.memref_slice %arg2[%add3A_18, %dma_wait3A_507] : memref<8192x1024xf32, #tpu.memory_space<hbm>> -> memref<32x1024xf32, #tpu.memory_space<hbm>>
    tpu.wait_dma2 semaphore(%arg6 : memref<!tpu.dma_semaphore, #tpu.memory_space<semaphore_mem>>) src(%dma_wait3A_508 : memref<32x1024xf32, #tpu.memory_space<hbm>>) dst(%arg5 : memref<32x1024xf32, #tpu.memory_space<vmem>>)
    %dma_start3A_509 = arith.constant 0 : i32
    %dma_start3A_510 = arith.constant 0 : i32
    %dma_start3A_511 = tpu.memref_slice %arg3[%dma_start3A_509, %add3A_76, %dma_start3A_510] : memref<4x8192x1024xf32, #tpu.memory_space<hbm>> -> memref<1x32x1024xf32, #tpu.memory_space<hbm>>
    %dma_start3A_512 = tpu.memref_squeeze %dma_start3A_511 : memref<1x32x1024xf32, #tpu.memory_space<hbm>> -> memref<32x1024xf32, #tpu.memory_space<hbm>>
    %dma_start3A_513 = arith.constant 0 : i32
    %dma_start3A_514 = tpu.memref_slice %arg3[%dma_start3A_509, %add3A_76, %dma_start3A_513] : memref<4x8192x1024xf32, #tpu.memory_space<hbm>> -> memref<1x32x1024xf32, #tpu.memory_space<hbm>>
    %dma_start3A_515 = tpu.memref_squeeze %dma_start3A_514 : memref<1x32x1024xf32, #tpu.memory_space<hbm>> -> memref<32x1024xf32, #tpu.memory_space<hbm>>
    tpu.enqueue_dma source(%arg5 : memref<32x1024xf32, #tpu.memory_space<vmem>>) target(%dma_start3A_515 : memref<32x1024xf32, #tpu.memory_space<hbm>>) target_semaphore(%arg7 : memref<!tpu.dma_semaphore, #tpu.memory_space<semaphore_mem>>)
    %dma_start3A_516 = arith.constant 1 : i32
    %dma_start3A_517 = arith.constant 0 : i32
    %dma_start3A_518 = tpu.memref_slice %arg3[%dma_start3A_516, %add3A_78, %dma_start3A_517] : memref<4x8192x1024xf32, #tpu.memory_space<hbm>> -> memref<1x32x1024xf32, #tpu.memory_space<hbm>>
    %dma_start3A_519 = tpu.memref_squeeze %dma_start3A_518 : memref<1x32x1024xf32, #tpu.memory_space<hbm>> -> memref<32x1024xf32, #tpu.memory_space<hbm>>
    %dma_start3A_520 = arith.constant 0 : i32
    %dma_start3A_521 = tpu.memref_slice %arg3[%dma_start3A_516, %add3A_78, %dma_start3A_520] : memref<4x8192x1024xf32, #tpu.memory_space<hbm>> -> memref<1x32x1024xf32, #tpu.memory_space<hbm>>
    %dma_start3A_522 = tpu.memref_squeeze %dma_start3A_521 : memref<1x32x1024xf32, #tpu.memory_space<hbm>> -> memref<32x1024xf32, #tpu.memory_space<hbm>>
    tpu.enqueue_dma source(%arg5 : memref<32x1024xf32, #tpu.memory_space<vmem>>) target(%dma_start3A_522 : memref<32x1024xf32, #tpu.memory_space<hbm>>) target_semaphore(%arg7 : memref<!tpu.dma_semaphore, #tpu.memory_space<semaphore_mem>>)
    %dma_start3A_523 = arith.constant 2 : i32
    %dma_start3A_524 = arith.constant 0 : i32
    %dma_start3A_525 = tpu.memref_slice %arg3[%dma_start3A_523, %add3A_80, %dma_start3A_524] : memref<4x8192x1024xf32, #tpu.memory_space<hbm>> -> memref<1x32x1024xf32, #tpu.memory_space<hbm>>
    %dma_start3A_526 = tpu.memref_squeeze %dma_start3A_525 : memref<1x32x1024xf32, #tpu.memory_space<hbm>> -> memref<32x1024xf32, #tpu.memory_space<hbm>>
    %dma_start3A_527 = arith.constant 0 : i32
    %dma_start3A_528 = tpu.memref_slice %arg3[%dma_start3A_523, %add3A_80, %dma_start3A_527] : memref<4x8192x1024xf32, #tpu.memory_space<hbm>> -> memref<1x32x1024xf32, #tpu.memory_space<hbm>>
    %dma_start3A_529 = tpu.memref_squeeze %dma_start3A_528 : memref<1x32x1024xf32, #tpu.memory_space<hbm>> -> memref<32x1024xf32, #tpu.memory_space<hbm>>
    tpu.enqueue_dma source(%arg5 : memref<32x1024xf32, #tpu.memory_space<vmem>>) target(%dma_start3A_529 : memref<32x1024xf32, #tpu.memory_space<hbm>>) target_semaphore(%arg7 : memref<!tpu.dma_semaphore, #tpu.memory_space<semaphore_mem>>)
    %dma_start3A_530 = arith.constant 3 : i32
    %dma_start3A_531 = arith.constant 0 : i32
    %dma_start3A_532 = tpu.memref_slice %arg3[%dma_start3A_530, %add3A_82, %dma_start3A_531] : memref<4x8192x1024xf32, #tpu.memory_space<hbm>> -> memref<1x32x1024xf32, #tpu.memory_space<hbm>>
    %dma_start3A_533 = tpu.memref_squeeze %dma_start3A_532 : memref<1x32x1024xf32, #tpu.memory_space<hbm>> -> memref<32x1024xf32, #tpu.memory_space<hbm>>
    %dma_start3A_534 = arith.constant 0 : i32
    %dma_start3A_535 = tpu.memref_slice %arg3[%dma_start3A_530, %add3A_82, %dma_start3A_534] : memref<4x8192x1024xf32, #tpu.memory_space<hbm>> -> memref<1x32x1024xf32, #tpu.memory_space<hbm>>
    %dma_start3A_536 = tpu.memref_squeeze %dma_start3A_535 : memref<1x32x1024xf32, #tpu.memory_space<hbm>> -> memref<32x1024xf32, #tpu.memory_space<hbm>>
    tpu.enqueue_dma source(%arg5 : memref<32x1024xf32, #tpu.memory_space<vmem>>) target(%dma_start3A_536 : memref<32x1024xf32, #tpu.memory_space<hbm>>) target_semaphore(%arg7 : memref<!tpu.dma_semaphore, #tpu.memory_space<semaphore_mem>>)
    %dma_wait3A_537 = arith.constant 0 : i32
    %dma_wait3A_538 = arith.constant 0 : i32
    %dma_wait3A_539 = tpu.memref_slice %arg3[%dma_wait3A_537, %add3A_68, %dma_wait3A_538] : memref<4x8192x1024xf32, #tpu.memory_space<hbm>> -> memref<1x32x1024xf32, #tpu.memory_space<hbm>>
    %dma_wait3A_540 = tpu.memref_squeeze %dma_wait3A_539 : memref<1x32x1024xf32, #tpu.memory_space<hbm>> -> memref<32x1024xf32, #tpu.memory_space<hbm>>
    %dma_wait3A_541 = arith.constant 0 : i32
    %dma_wait3A_542 = tpu.memref_slice %arg3[%dma_wait3A_537, %add3A_68, %dma_wait3A_541] : memref<4x8192x1024xf32, #tpu.memory_space<hbm>> -> memref<1x32x1024xf32, #tpu.memory_space<hbm>>
    %dma_wait3A_543 = tpu.memref_squeeze %dma_wait3A_542 : memref<1x32x1024xf32, #tpu.memory_space<hbm>> -> memref<32x1024xf32, #tpu.memory_space<hbm>>
    tpu.wait_dma2 semaphore(%arg7 : memref<!tpu.dma_semaphore, #tpu.memory_space<semaphore_mem>>) src(%arg4 : memref<32x1024xf32, #tpu.memory_space<vmem>>) dst(%dma_wait3A_543 : memref<32x1024xf32, #tpu.memory_space<hbm>>)
    %dma_wait3A_544 = arith.constant 1 : i32
    %dma_wait3A_545 = arith.constant 0 : i32
    %dma_wait3A_546 = tpu.memref_slice %arg3[%dma_wait3A_544, %add3A_70, %dma_wait3A_545] : memref<4x8192x1024xf32, #tpu.memory_space<hbm>> -> memref<1x32x1024xf32, #tpu.memory_space<hbm>>
    %dma_wait3A_547 = tpu.memref_squeeze %dma_wait3A_546 : memref<1x32x1024xf32, #tpu.memory_space<hbm>> -> memref<32x1024xf32, #tpu.memory_space<hbm>>
    %dma_wait3A_548 = arith.constant 0 : i32
    %dma_wait3A_549 = tpu.memref_slice %arg3[%dma_wait3A_544, %add3A_70, %dma_wait3A_548] : memref<4x8192x1024xf32, #tpu.memory_space<hbm>> -> memref<1x32x1024xf32, #tpu.memory_space<hbm>>
    %dma_wait3A_550 = tpu.memref_squeeze %dma_wait3A_549 : memref<1x32x1024xf32, #tpu.memory_space<hbm>> -> memref<32x1024xf32, #tpu.memory_space<hbm>>
    tpu.wait_dma2 semaphore(%arg7 : memref<!tpu.dma_semaphore, #tpu.memory_space<semaphore_mem>>) src(%arg4 : memref<32x1024xf32, #tpu.memory_space<vmem>>) dst(%dma_wait3A_550 : memref<32x1024xf32, #tpu.memory_space<hbm>>)
    %dma_wait3A_551 = arith.constant 2 : i32
    %dma_wait3A_552 = arith.constant 0 : i32
    %dma_wait3A_553 = tpu.memref_slice %arg3[%dma_wait3A_551, %add3A_72, %dma_wait3A_552] : memref<4x8192x1024xf32, #tpu.memory_space<hbm>> -> memref<1x32x1024xf32, #tpu.memory_space<hbm>>
    %dma_wait3A_554 = tpu.memref_squeeze %dma_wait3A_553 : memref<1x32x1024xf32, #tpu.memory_space<hbm>> -> memref<32x1024xf32, #tpu.memory_space<hbm>>
    %dma_wait3A_555 = arith.constant 0 : i32
    %dma_wait3A_556 = tpu.memref_slice %arg3[%dma_wait3A_551, %add3A_72, %dma_wait3A_555] : memref<4x8192x1024xf32, #tpu.memory_space<hbm>> -> memref<1x32x1024xf32, #tpu.memory_space<hbm>>
    %dma_wait3A_557 = tpu.memref_squeeze %dma_wait3A_556 : memref<1x32x1024xf32, #tpu.memory_space<hbm>> -> memref<32x1024xf32, #tpu.memory_space<hbm>>
    tpu.wait_dma2 semaphore(%arg7 : memref<!tpu.dma_semaphore, #tpu.memory_space<semaphore_mem>>) src(%arg4 : memref<32x1024xf32, #tpu.memory_space<vmem>>) dst(%dma_wait3A_557 : memref<32x1024xf32, #tpu.memory_space<hbm>>)
    %dma_wait3A_558 = arith.constant 3 : i32
    %dma_wait3A_559 = arith.constant 0 : i32
    %dma_wait3A_560 = tpu.memref_slice %arg3[%dma_wait3A_558, %add3A_74, %dma_wait3A_559] : memref<4x8192x1024xf32, #tpu.memory_space<hbm>> -> memref<1x32x1024xf32, #tpu.memory_space<hbm>>
    %dma_wait3A_561 = tpu.memref_squeeze %dma_wait3A_560 : memref<1x32x1024xf32, #tpu.memory_space<hbm>> -> memref<32x1024xf32, #tpu.memory_space<hbm>>
    %dma_wait3A_562 = arith.constant 0 : i32
    %dma_wait3A_563 = tpu.memref_slice %arg3[%dma_wait3A_558, %add3A_74, %dma_wait3A_562] : memref<4x8192x1024xf32, #tpu.memory_space<hbm>> -> memref<1x32x1024xf32, #tpu.memory_space<hbm>>
    %dma_wait3A_564 = tpu.memref_squeeze %dma_wait3A_563 : memref<1x32x1024xf32, #tpu.memory_space<hbm>> -> memref<32x1024xf32, #tpu.memory_space<hbm>>
    tpu.wait_dma2 semaphore(%arg7 : memref<!tpu.dma_semaphore, #tpu.memory_space<semaphore_mem>>) src(%arg4 : memref<32x1024xf32, #tpu.memory_space<vmem>>) dst(%dma_wait3A_564 : memref<32x1024xf32, #tpu.memory_space<hbm>>)
    %dma_wait3A_565 = arith.constant 0 : i32
    %dma_wait3A_566 = arith.constant 0 : i32
    %dma_wait3A_567 = tpu.memref_slice %arg3[%dma_wait3A_565, %add3A_76, %dma_wait3A_566] : memref<4x8192x1024xf32, #tpu.memory_space<hbm>> -> memref<1x32x1024xf32, #tpu.memory_space<hbm>>
    %dma_wait3A_568 = tpu.memref_squeeze %dma_wait3A_567 : memref<1x32x1024xf32, #tpu.memory_space<hbm>> -> memref<32x1024xf32, #tpu.memory_space<hbm>>
    %dma_wait3A_569 = arith.constant 0 : i32
    %dma_wait3A_570 = tpu.memref_slice %arg3[%dma_wait3A_565, %add3A_76, %dma_wait3A_569] : memref<4x8192x1024xf32, #tpu.memory_space<hbm>> -> memref<1x32x1024xf32, #tpu.memory_space<hbm>>
    %dma_wait3A_571 = tpu.memref_squeeze %dma_wait3A_570 : memref<1x32x1024xf32, #tpu.memory_space<hbm>> -> memref<32x1024xf32, #tpu.memory_space<hbm>>
    tpu.wait_dma2 semaphore(%arg7 : memref<!tpu.dma_semaphore, #tpu.memory_space<semaphore_mem>>) src(%arg5 : memref<32x1024xf32, #tpu.memory_space<vmem>>) dst(%dma_wait3A_571 : memref<32x1024xf32, #tpu.memory_space<hbm>>)
    %dma_wait3A_572 = arith.constant 1 : i32
    %dma_wait3A_573 = arith.constant 0 : i32
    %dma_wait3A_574 = tpu.memref_slice %arg3[%dma_wait3A_572, %add3A_78, %dma_wait3A_573] : memref<4x8192x1024xf32, #tpu.memory_space<hbm>> -> memref<1x32x1024xf32, #tpu.memory_space<hbm>>
    %dma_wait3A_575 = tpu.memref_squeeze %dma_wait3A_574 : memref<1x32x1024xf32, #tpu.memory_space<hbm>> -> memref<32x1024xf32, #tpu.memory_space<hbm>>
    %dma_wait3A_576 = arith.constant 0 : i32
    %dma_wait3A_577 = tpu.memref_slice %arg3[%dma_wait3A_572, %add3A_78, %dma_wait3A_576] : memref<4x8192x1024xf32, #tpu.memory_space<hbm>> -> memref<1x32x1024xf32, #tpu.memory_space<hbm>>
    %dma_wait3A_578 = tpu.memref_squeeze %dma_wait3A_577 : memref<1x32x1024xf32, #tpu.memory_space<hbm>> -> memref<32x1024xf32, #tpu.memory_space<hbm>>
    tpu.wait_dma2 semaphore(%arg7 : memref<!tpu.dma_semaphore, #tpu.memory_space<semaphore_mem>>) src(%arg5 : memref<32x1024xf32, #tpu.memory_space<vmem>>) dst(%dma_wait3A_578 : memref<32x1024xf32, #tpu.memory_space<hbm>>)
    %dma_wait3A_579 = arith.constant 2 : i32
    %dma_wait3A_580 = arith.constant 0 : i32
    %dma_wait3A_581 = tpu.memref_slice %arg3[%dma_wait3A_579, %add3A_80, %dma_wait3A_580] : memref<4x8192x1024xf32, #tpu.memory_space<hbm>> -> memref<1x32x1024xf32, #tpu.memory_space<hbm>>
    %dma_wait3A_582 = tpu.memref_squeeze %dma_wait3A_581 : memref<1x32x1024xf32, #tpu.memory_space<hbm>> -> memref<32x1024xf32, #tpu.memory_space<hbm>>
    %dma_wait3A_583 = arith.constant 0 : i32
    %dma_wait3A_584 = tpu.memref_slice %arg3[%dma_wait3A_579, %add3A_80, %dma_wait3A_583] : memref<4x8192x1024xf32, #tpu.memory_space<hbm>> -> memref<1x32x1024xf32, #tpu.memory_space<hbm>>
    %dma_wait3A_585 = tpu.memref_squeeze %dma_wait3A_584 : memref<1x32x1024xf32, #tpu.memory_space<hbm>> -> memref<32x1024xf32, #tpu.memory_space<hbm>>
    tpu.wait_dma2 semaphore(%arg7 : memref<!tpu.dma_semaphore, #tpu.memory_space<semaphore_mem>>) src(%arg5 : memref<32x1024xf32, #tpu.memory_space<vmem>>) dst(%dma_wait3A_585 : memref<32x1024xf32, #tpu.memory_space<hbm>>)
    %dma_wait3A_586 = arith.constant 3 : i32
    %dma_wait3A_587 = arith.constant 0 : i32
    %dma_wait3A_588 = tpu.memref_slice %arg3[%dma_wait3A_586, %add3A_82, %dma_wait3A_587] : memref<4x8192x1024xf32, #tpu.memory_space<hbm>> -> memref<1x32x1024xf32, #tpu.memory_space<hbm>>
    %dma_wait3A_589 = tpu.memref_squeeze %dma_wait3A_588 : memref<1x32x1024xf32, #tpu.memory_space<hbm>> -> memref<32x1024xf32, #tpu.memory_space<hbm>>
    %dma_wait3A_590 = arith.constant 0 : i32
    %dma_wait3A_591 = tpu.memref_slice %arg3[%dma_wait3A_586, %add3A_82, %dma_wait3A_590] : memref<4x8192x1024xf32, #tpu.memory_space<hbm>> -> memref<1x32x1024xf32, #tpu.memory_space<hbm>>
    %dma_wait3A_592 = tpu.memref_squeeze %dma_wait3A_591 : memref<1x32x1024xf32, #tpu.memory_space<hbm>> -> memref<32x1024xf32, #tpu.memory_space<hbm>>
    tpu.wait_dma2 semaphore(%arg7 : memref<!tpu.dma_semaphore, #tpu.memory_space<semaphore_mem>>) src(%arg5 : memref<32x1024xf32, #tpu.memory_space<vmem>>) dst(%dma_wait3A_592 : memref<32x1024xf32, #tpu.memory_space<hbm>>)
    return
  }
}

</mosaic_0001>

<sc_bundles>
// kernel: kernel.3.cloned.1.call-start
scs
__scs_entry_jumppad:
0x0: {  	(pc) =	sbr.rel $0x88, $3  }
0x1: {  	(tag) =	ssettag $0x0;
	lr =	simm.s32 $0x1  }
0x2: {  	[smem:$0x3FA0] =	sst lr;
	_ =	strace $0xD0000000  }
0x3: {  	_ = 	snop  }
0x4: {  	_ = 	snop  }
0x5: {  	_ = 	snop  }
0x6: {  	_ = 	snop  }
0x7: {  	_ = 	snop  }
__scs_overlays_trampoline_lowered:
0x8: {  	[smem:$0x3FAF] =	sst s0  }
0x9: {  	[smem:$0x3FB0] =	sst s1  }
0xa: {  	[smem:$0x3FB1] =	sst s2  }
0xb: {  	[smem:$0x3FB2] =	sst s3  }
0xc: {  	[smem:$0x3FB3] =	sst s4  }
0xd: {  	[smem:$0x3FB4] =	sst s5  }
0xe: {  	[smem:$0x3FB5] =	sst s6  }
0xf: {  	[smem:$0x3FB6] =	sst s7  }
0x10: {  	[smem:$0x3FB7] =	sst s8  }
0x11: {  	[smem:$0x3FB8] =	sst s9;
	s0 =	simm.s32 @!p0 $0x0  }
0x12: {  	s1 =	sld [smem:$0x3F9E];
	s0 =	simm.s32 @p0 $0x1  }
0x13: {  	[smem:$0x3FB9] =	sst s0;
	s0 =	simm.s32 @!p1 $0x0  }
0x14: {  	s2 =	sld [smem:$0x3F9D];
	s0 =	simm.s32 @p1 $0x1  }
0x15: {  	[smem:$0x3FBA] =	sst s0;
	s0 =	simm.s32 @!p2 $0x0  }
0x16: {  	s3 =	sld [smem:$0x3FDB];
	s0 =	simm.s32 @p2 $0x1  }
0x17: {  	s4 =	simm.s32 $0x1BF5;
	[smem:$0x3FBC] =	sst s0  }
0x18: {  	s0 =	sld [smem:$0x3F9F];
	_ =	swait.ge [sflag:s4], $0x0  }
0x19: {  	s7 =	sld [smem:$0x3FA0]  }
0x1a: {  	s8 =	sadd.s32 $0xFFFFE003, lr  }
0x1b: {  	s9 =	sadd.s32 $0xFFFFFEF7, lr;
	s5 =	simm.s32 $0xFFFFFFFF;
	p2 =	slt.u32 s8, $0xFFFFF086  }
0x1c: {  	p1 =	slt.u32 s9, $0xF7A;
	s5 =	simm.s32 @!p2 $0x0  }
0x1d: {  	s5 =	simm.s32 @p1 $0x1;
	p0 =	seq.s32 s7, s2  }
0x1e: {  	s7 =	smul.u32 @!p0 $0xF7A, s2;
	p2 =	seq.s32 @!p0 s5, $0x0  }
0x1f: {  	s9 =	smul.u32 $0xF7A, s1;
	s8 =	simm.s32 @!p0 $0x1BF5;
	p2 =	por !p2, p0  }
0x20: {  	[sflag:s8] =	ssyncset.s32 @!p0 $0xFFFFF086;
	s6 =	sadd.s32 @!p0 s3, s7;
	s7 =	simm.s32 @!p0 $0x108  }
0x21: {  	s3 =	sadd.s32 s3, s9;
	s6 =	sadd.s32 @!p0 $0x88, s6;
	s7 =	simm.s32 @p2 $0x1082  }
0x22: {  	[simem:s7], [sflag:s8] =	dma.local @!p0 [hbm:s6], $0xF7A  }
0x23: {  	s9 =	sor.u32 $0xD0000000, s2;
	s6 =	simm.s32 $0x108;
	_ =	swait.ge @!p0 [sflag:s8], $0x0  }
0x24: {  	s3 =	sadd.s32 $0x88, s3;
	s6 =	simm.s32 @!p1 $0x1082;
	[sflag:s4] =	ssyncset.s32 $0xFFFFF086  }
0x25: {  	[simem:s6], [sflag:s4] =	dma.local [hbm:s3], $0xF7A  }
0x26: {  	[smem:$0x3FA0] =	sst s1;
	(tag) =	ssettag s2;
	_ =	strace s9  }
0x27: {  	s1 =	sld [smem:$0x3FB0]  }
0x28: {  	s2 =	sld [smem:$0x3FB1]  }
0x29: {  	s4 =	sld [smem:$0x3FB3]  }
0x2a: {  	p0 =	seq.s32 s5, $0x0;
	s5 =	sld [smem:$0x3FB4]  }
0x2b: {  	s6 =	sld [smem:$0x3FB5]  }
0x2c: {  	s7 =	sld [smem:$0x3FB6]  }
0x2d: {  	s3 =	simm.s32 $0x108;
	s8 =	sld [smem:$0x3FB7]  }
0x2e: {  	s3 =	simm.s32 @!p0 $0x1082;
	s9 =	sld [smem:$0x3FB8]  }
0x2f: {  	lr =	sadd.s32 s0, s3;
	s0 =	sld [smem:$0x3FAF]  }
0x30: {  	s3 =	sld [smem:$0x3FB2]  }
0x31: {  	[smem:$0x3FBB] =	sst s10  }
0x32: {  	s10 =	sld [smem:$0x3FB9];
	_ =	sdelay $0x3  }
0x33: {  	p0 =	seq.s32 s10, $0x1;
	s10 =	sld [smem:$0x3FBB];
	_ =	sdelay $0x3  }
0x34: {  	[smem:$0x3FBB] =	sst s10  }
0x35: {  	s10 =	sld [smem:$0x3FBA];
	_ =	sdelay $0x3  }
0x36: {  	p1 =	seq.s32 s10, $0x1;
	s10 =	sld [smem:$0x3FBB];
	_ =	sdelay $0x3  }
0x37: {  	[smem:$0x3FBB] =	sst s10  }
0x38: {  	s10 =	sld [smem:$0x3FBC]  }
0x39: {  	_ = 	snop;
	(pc) =	sbr.ind lr, $3  }
0x3a: {  	_ = 	snop  }
0x3b: {  	_ = 	snop  }
0x3c: {  	p2 =	seq.s32 s10, $0x1;
	s10 =	sld [smem:$0x3FBB]  }
0x3d: {  	_ =	shalt  }
0x3e: {  	_ =	shalt  }
0x3f: {  	_ =	shalt  }
0x40: {  	_ =	shalt  }
0x41: {  	_ =	shalt  }
0x42: {  	_ =	shalt  }
0x43: {  	_ =	shalt  }
0x44: {  	_ =	shalt  }
0x45: {  	_ =	shalt  }
0x46: {  	_ =	shalt  }
0x47: {  	_ =	shalt  }
0x48: {  	_ =	shalt  }
0x49: {  	_ =	shalt  }
0x4a: {  	_ =	shalt  }
0x4b: {  	_ =	shalt  }
0x4c: {  	_ =	shalt  }
0x4d: {  	_ =	shalt  }
0x4e: {  	_ =	shalt  }
0x4f: {  	_ =	shalt  }
0x50: {  	_ =	shalt  }
0x51: {  	_ =	shalt  }
0x52: {  	_ =	shalt  }
0x53: {  	_ =	shalt  }
0x54: {  	_ =	shalt  }
0x55: {  	_ =	shalt  }
0x56: {  	_ =	shalt  }
0x57: {  	_ =	shalt  }
0x58: {  	_ =	shalt  }
0x59: {  	_ =	shalt  }
0x5a: {  	_ =	shalt  }
0x5b: {  	_ =	shalt  }
0x5c: {  	_ =	shalt  }
0x5d: {  	_ =	shalt  }
0x5e: {  	_ =	shalt  }
0x5f: {  	_ =	shalt  }
0x60: {  	_ =	shalt  }
0x61: {  	_ =	shalt  }
0x62: {  	_ =	shalt  }
0x63: {  	_ =	shalt  }
0x64: {  	_ =	shalt  }
0x65: {  	_ =	shalt  }
0x66: {  	_ =	shalt  }
0x67: {  	_ =	shalt  }
0x68: {  	_ =	shalt  }
0x69: {  	_ =	shalt  }
0x6a: {  	_ =	shalt  }
0x6b: {  	_ =	shalt  }
0x6c: {  	_ =	shalt  }
0x6d: {  	_ =	shalt  }
0x6e: {  	_ =	shalt  }
0x6f: {  	_ =	shalt  }
0x70: {  	_ =	shalt  }
0x71: {  	_ =	shalt  }
0x72: {  	_ =	shalt  }
0x73: {  	_ =	shalt  }
0x74: {  	_ =	shalt  }
0x75: {  	_ =	shalt  }
0x76: {  	_ =	shalt  }
0x77: {  	_ =	shalt  }
0x78: {  	_ =	shalt  }
0x79: {  	_ =	shalt  }
0x7a: {  	_ =	shalt  }
0x7b: {  	_ =	shalt  }
0x7c: {  	_ =	shalt  }
0x7d: {  	_ =	shalt  }
0x7e: {  	_ =	shalt  }
0x7f: {  	_ =	shalt  }
0x80: {  	_ =	shalt  }
0x81: {  	_ =	shalt  }
0x82: {  	_ =	shalt  }
0x83: {  	_ =	shalt  }
0x84: {  	_ =	shalt  }
0x85: {  	_ =	shalt  }
0x86: {  	_ =	shalt  }
0x87: {  	_ =	shalt  }
.Lfunc_end0:
.L_simem_size_0:
called_computation_lowered:
.L_overlay_start_0:
0x88: {  	s2 =	sld [smem:$0x3FD9]  }
0x89: {  	s3 =	sld [smem:$0x3FFE];
	_ =	sdelay $0x1  }
0x8a: {  	s1 =	srdreg.scid  }
0x8b: {  	s0 =	sand.u32 $0x1, s1  }
0x8c: {  	s18 =	sshll.u32 s0, $0xA;
	s2 =	sadd.s32 s3, s2  }
0x8d: {  	s2 =	sadd.s32 s2, s18  }
0x8e: {  	[smem:$0x3FC7] =	sst s2  }
0x8f: {  	_ = 	snop  }
0x90: {  	s2 =	sld [smem:$0x3FC9]  }
0x91: {  	s19 =	sld [smem:$0x3FD0];
	(tm) =	ssettm $0x1  }
0x92: {  	s4 =	sld [smem:$0x3FFB];
	_ =	sdelay $0x3  }
0x93: {  	_ =	strace s4  }
0x94: {  	s4 =	sld [smem:$0x3FFC];
	_ =	sdelay $0x3  }
0x95: {  	_ =	strace s4  }
0x96: {  	s4 =	sld [smem:$0x3FFD];
	_ =	sdelay $0x3  }
0x97: {  	_ =	strace s4  }
0x98: {  	_ =	strace $0x8FFFFFFF  }
0x99: {  	s20 =	sld [smem:$0x3FDB];
	_ =	sdelay $0x1  }
0x9a: {  	s5 =	simm.s32 $_scs_section_size  }
0x9b: {  	s6 =	simm.s32 $_size__tile_overlayer_lowered;
	s7 =	simm.s32 $_tile_overlayer_lowered  }
0x9c: {  	s23 =	simm.s32 $0x1BFF;
	s22 =	sshll.u32 s7, $0x1;
	s4 =	sadd.s32 s5, s20  }
0x9d: {  	s8 =	simm.s32 $0x0;
	s21 =	sshll.u32 s6, $0x1;
	s6 =	sadd.s32 s22, s4  }
0x9e: {  	[timem:s8], [sflag:s23] =	dma.local [hbm:s6], s21  }
0x9f: {  	_ =	swait.ge [sflag:s23], s21  }
0xa0: {  	s5 =	ssub.s32 $0x0, s21;
	[sflag:s23] =	ssyncset.done $0x0  }
0xa1: {  	[sflag:s23] =	ssyncadd.s32 s5;
	_ =	sdelay $0x1  }
0xa2: {  	s24 =	simm.s32 $0x1B8B  }
0xa3: {  	_ =	swait.ge [sflag:s24], $0x1  }
0xa4: {  	[sflag:s24] =	ssyncset.done $0x0  }
0xa5: {  	s25 =	simm.s32 $0x1B8E;
	[sflag:s24] =	ssyncadd.s32 $0xFFFFFFFF  }
0xa6: {  	s26 =	simm.s32 $execute0_lowered;
	[smem:$0x3FD2] =	sst s25  }
0xa7: {  	s5 =	sshll.u32 s26, $0x1;
	_ =	strace $0x80000046;
	[dreg:$0x1] =	wrdreg $0xFFFFFFFF  }
0xa8: {  	s28 =	simm.s32 $_size_execute0_lowered;
	s4 =	sadd.s32 s4, s5;
	[dreg:$0x0] =	wrdreg $0x0  }
0xa9: {  	s5 =	sshll.u32 s28, $0x1;
	[dreg:$0x2] =	wrdreg s4  }
0xaa: {  	[dreg:$0x3] =	wrdreg s5  }
0xab: {  	[dreg:$0x4] =	wrdreg $0xC0  }
0xac: {  	_ =	task [dreg:s8], $0x5FFFF  }
0xad: {  	[dreg:$0x1] =	wrdreg $0xFFFFFFFF  }
0xae: {  	[dreg:$0x0] =	wrdreg $0x60  }
0xaf: {  	[dreg:$0x2] =	wrdreg s2  }
0xb0: {  	[dreg:$0x3] =	wrdreg s19  }
0xb1: {  	[dreg:$0x4] =	wrdreg $0x9  }
0xb2: {  	_ =	task.clear_ibuf [dreg:s8], $0x5FFFF;
	_ =	strace $0x90000046  }
0xb3: {  	s29 =	simm.s32 $0x9;
	_ =	strace $0x80000048  }
0xb4: {  	_ =	swait.ge [sflag:s29], $0x1  }
0xb5: {  	[sflag:s29] =	ssyncadd.s32 $0xFFFFFFFF  }
0xb6: {  	_ =	strace $0x90000048  }
0xb7: {  	_ =	sfence  }
0xb8: {  	s30 =	sld [smem:$0x0];
	_ =	sdelay $0x2  }
0xb9: {  	s31 =	sshll.u32 s1, $0xD;
	s1 =	sshrl.u32 s1, $0x2  }
0xba: {  	s3 =	sand.u32 $0x4000, s31;
	s1 =	sadd.s32 s1, s30  }
0xbb: {  	s0 =	sor.u32 s3, s0;
	s1 =	sshll.u32 s1, $0x11  }
0xbc: {  	s0 =	sor.u32 s1, s0  }
0xbd: {  	s0 =	sadd.s32 $0x8F2B, s0  }
0xbe: {  	[sflag:s0] =	ssyncadd.remote.s32 $0x1  }
0xbf: {  	_ =	sfence.sel $0xFFFF  }
0xc0: {  	[dreg:$0x0] =	wrdreg $0xFFFFFFFF;
	(pc) =	sbr.abs _section_cstart, $3  }
0xc1: {  	[dreg:$0x1] =	wrdreg $0xFFFFFFFF  }
0xc2: {  	_ =	task.clear_ibuf [dreg:s8], $0x2FFFF;
	_ =	strace $0x9FFFFFFF  }
0xc3: {  	(tm) =	ssettm $0x7FFFFFFF  }
tec
execute0_lowered:
.L_overlay_start_1:
0x0: {  	(tag) =	ssettag $0x1  }
0x1: {  	s3 =	rddreg [dreg:$0x0]  }
0x2: {  	s0 =	rddreg [dreg:$0x1]  }
0x3: {  	s1 =	srdreg.scid;
	s4 =	stileid.u32  }
0x4: {  	s2 =	simm.s32 $0x0;
	p0 =	por $0x0, $0x0;
	s1 =	sand.u32 $0x1, s1  }
0x5: {  	s4 =	sshll.u32 s4, $0x10;
	[smem:$0x7FF] =	sst s2;
	s5 =	sshll.u32 s1, $0xF  }
0x6: {  	_ =	strace $0x80000047;
	s1 =	ssub.s32 $0x2, s1;
	s4 =	sor.u32 s5, s4  }
0x7: {  	s8 =	sshrl.u32 s1, $0x1;
	s5 =	sadd.s32 s3, s4;
	s6 =	sor.u32 $0x1000, s4  }
0x8: {  	s31 =	sadd.s32 s0, s4;
	s7 =	sor.u32 $0x2000, s4;
	s25 =	sor.u32 $0x3000, s4  }
0x9: {  	s1 =	ssub.s32 s1, s8;
	[dreg:$0x3] =	wrdreg s5;
	s16 =	sadd.s32 s3, s6  }
0xa: {  	s12 =	sor.u32 $0x4000, s4;
	s17 =	sadd.s32 $0x100000, s31;
	[dreg:$0x4] =	wrdreg s16  }
0xb: {  	s13 =	sor.u32 $0x5000, s4;
	s18 =	sadd.s32 $0x200000, s31;
	[dreg:$0x5] =	wrdreg s17  }
0xc: {  	s14 =	sor.u32 $0x6000, s4;
	s19 =	sadd.s32 $0x300000, s31;
	[dreg:$0x6] =	wrdreg s18  }
0xd: {  	s4 =	sor.u32 $0x7000, s4;
	s20 =	sadd.s32 s3, s7;
	[dreg:$0x7] =	wrdreg s19  }
0xe: {  	s21 =	sadd.s32 s0, s6;
	s22 =	sadd.s32 $0x101000, s31;
	[dreg:$0x8] =	wrdreg s20  }
0xf: {  	s23 =	sadd.s32 $0x201000, s31;
	s24 =	sadd.s32 $0x301000, s31;
	[dreg:$0x9] =	wrdreg s21  }
0x10: {  	s26 =	sadd.s32 s3, s25;
	s7 =	sadd.s32 s0, s7;
	[dreg:$0xa] =	wrdreg s22  }
0x11: {  	s9 =	sadd.s32 $0x102000, s31;
	s10 =	sadd.s32 $0x202000, s31;
	[dreg:$0xb] =	wrdreg s23  }
0x12: {  	s11 =	sadd.s32 $0x302000, s31;
	s30 =	sadd.s32 s3, s12;
	[dreg:$0xc] =	wrdreg s24  }
0x13: {  	s25 =	sadd.s32 s0, s25;
	s28 =	sadd.s32 $0x203000, s31;
	[dreg:$0xd] =	wrdreg s26  }
0x14: {  	s29 =	sadd.s32 $0x303000, s31;
	s15 =	sadd.s32 s0, s13;
	[dreg:$0xe] =	wrdreg s7  }
0x15: {  	s5 =	sadd.s32 s0, s14;
	s6 =	sadd.s32 $0x106000, s31;
	[dreg:$0xf] =	wrdreg s9  }
0x16: {  	s1 =	smax.u32 s1, $0x1;
	s8 =	sadd.s32 $0x107000, s31;
	[dreg:$0x10] =	wrdreg s10  }
0x17: {  	[dreg:$0x11] =	wrdreg s11;
	s26 =	sadd.s32 $0x103000, s31;
	s24 =	sadd.s32 s3, s13  }
0x18: {  	s20 =	sadd.s32 s0, s12;
	s21 =	sadd.s32 $0x104000, s31;
	s22 =	sadd.s32 $0x204000, s31  }
0x19: {  	s23 =	sadd.s32 $0x304000, s31;
	s19 =	sadd.s32 s3, s14;
	p1 =	sne.s32 s1, $0x1  }
.Ltmp0:
0x1a: {  	s16 =	sadd.s32 $0x105000, s31;
	s17 =	sadd.s32 $0x205000, s31;
	(pc) =	sbr.rel @!p1 .LBB2_5-.Ltmp0, $4  }
0x1b: {  	s18 =	sadd.s32 $0x305000, s31;
	s13 =	sadd.s32 s3, s4;
	s7 =	sadd.s32 $0x206000, s31  }
0x1c: {  	s4 =	sadd.s32 s0, s4;
	s11 =	sadd.s32 $0x306000, s31;
	s0 =	sadd.s32 $0xFFFFFFFF, s1  }
0x1d: {  	s9 =	sadd.s32 $0x207000, s31;
	s10 =	sadd.s32 $0x307000, s31;
	s12 =	simm.s32 $0x8000  }
0x1e: {  	s14 =	simm.s32 $0x1;
	s3 =	simm.s32 $0x2;
	s1 =	rddreg [dreg:$0x3]  }
0x1f: {  	[dreg:$0x13] =	wrdreg s0  }
0x20: {  	[tilespmem:s2], [sflag:$0x1] =	stream.linear.gather [hbm4b:s1+s2], $0x8000, $0x38;
	[tilespmem:$0x10000] =	vst v63  }
0x21: {  	s0 =	rddreg [dreg:$0x4]  }
0x22: {  	[tilespmem:s12], [sflag:$0x1] =	stream.linear.gather [hbm4b:s0+s2], $0x8000, $0x38;
	[tilespmem:$0x10000] =	vst v63  }
0x23: {  	_ =	swait.ge [sflag:s14], $0x8000  }
0x24: {  	[sflag:s14] =	ssyncset.done $0x0  }
0x25: {  	[sflag:s14] =	ssyncadd.s32 $0xFFFF8000  }
0x26: {  	[hbm4b:s31+s2] =	stream.linear.scatter [tilespmem:s2], [sflag:$0x2], $0x8000, $0x38;
	[tilespmem:$0x10000] =	vst v63  }
0x27: {  	s0 =	rddreg [dreg:$0x5]  }
0x28: {  	[hbm4b:s0+s2] =	stream.linear.scatter [tilespmem:s2], [sflag:$0x2], $0x8000, $0x38;
	[tilespmem:$0x10000] =	vst v63  }
0x29: {  	s1 =	rddreg [dreg:$0x6]  }
0x2a: {  	[hbm4b:s1+s2] =	stream.linear.scatter [tilespmem:s2], [sflag:$0x2], $0x8000, $0x38;
	[tilespmem:$0x10000] =	vst v63  }
0x2b: {  	s0 =	rddreg [dreg:$0x7]  }
0x2c: {  	[hbm4b:s0+s2] =	stream.linear.scatter [tilespmem:s2], [sflag:$0x2], $0x8000, $0x38;
	[tilespmem:$0x10000] =	vst v63  }
0x2d: {  	_ =	swait.ge [sflag:s3], $0x8000  }
0x2e: {  	[sflag:s3] =	ssyncset.done $0x0  }
0x2f: {  	[sflag:s3] =	ssyncadd.s32 $0xFFFF8000  }
0x30: {  	_ =	swait.ge [sflag:s3], $0x8000  }
0x31: {  	[sflag:s3] =	ssyncset.done $0x0  }
0x32: {  	[sflag:s3] =	ssyncadd.s32 $0xFFFF8000  }
0x33: {  	_ =	swait.ge [sflag:s3], $0x8000  }
0x34: {  	[sflag:s3] =	ssyncset.done $0x0  }
0x35: {  	[sflag:s3] =	ssyncadd.s32 $0xFFFF8000  }
0x36: {  	_ =	swait.ge [sflag:s3], $0x8000  }
0x37: {  	[sflag:s3] =	ssyncset.done $0x0  }
0x38: {  	s1 =	rddreg [dreg:$0x8];
	[sflag:s3] =	ssyncadd.s32 $0xFFFF8000  }
0x39: {  	[tilespmem:s2], [sflag:$0x1] =	stream.linear.gather [hbm4b:s1+s2], $0x8000, $0x38;
	[tilespmem:$0x10000] =	vst v63  }
0x3a: {  	_ =	swait.ge [sflag:s14], $0x8000  }
0x3b: {  	[sflag:s14] =	ssyncset.done $0x0  }
0x3c: {  	s0 =	rddreg [dreg:$0x9];
	[sflag:s14] =	ssyncadd.s32 $0xFFFF8000  }
0x3d: {  	[hbm4b:s0+s2] =	stream.linear.scatter [tilespmem:s12], [sflag:$0x2], $0x8000, $0x38;
	[tilespmem:$0x10000] =	vst v63  }
0x3e: {  	s1 =	rddreg [dreg:$0xa]  }
0x3f: {  	[hbm4b:s1+s2] =	stream.linear.scatter [tilespmem:s12], [sflag:$0x2], $0x8000, $0x38;
	[tilespmem:$0x10000] =	vst v63  }
0x40: {  	s0 =	rddreg [dreg:$0xb]  }
0x41: {  	[hbm4b:s0+s2] =	stream.linear.scatter [tilespmem:s12], [sflag:$0x2], $0x8000, $0x38;
	[tilespmem:$0x10000] =	vst v63  }
0x42: {  	s1 =	rddreg [dreg:$0xc]  }
0x43: {  	[hbm4b:s1+s2] =	stream.linear.scatter [tilespmem:s12], [sflag:$0x2], $0x8000, $0x38;
	[tilespmem:$0x10000] =	vst v63  }
0x44: {  	_ =	swait.ge [sflag:s3], $0x8000  }
0x45: {  	[sflag:s3] =	ssyncset.done $0x0  }
0x46: {  	[sflag:s3] =	ssyncadd.s32 $0xFFFF8000  }
0x47: {  	_ =	swait.ge [sflag:s3], $0x8000  }
0x48: {  	[sflag:s3] =	ssyncset.done $0x0  }
0x49: {  	[sflag:s3] =	ssyncadd.s32 $0xFFFF8000  }
0x4a: {  	_ =	swait.ge [sflag:s3], $0x8000  }
0x4b: {  	[sflag:s3] =	ssyncset.done $0x0  }
0x4c: {  	[sflag:s3] =	ssyncadd.s32 $0xFFFF8000  }
0x4d: {  	_ =	swait.ge [sflag:s3], $0x8000  }
0x4e: {  	[sflag:s3] =	ssyncset.done $0x0  }
0x4f: {  	s1 =	rddreg [dreg:$0xd];
	[sflag:s3] =	ssyncadd.s32 $0xFFFF8000  }
0x50: {  	[tilespmem:s12], [sflag:$0x1] =	stream.linear.gather [hbm4b:s1+s2], $0x8000, $0x38;
	[tilespmem:$0x10000] =	vst v63  }
0x51: {  	_ =	swait.ge [sflag:s14], $0x8000  }
0x52: {  	[sflag:s14] =	ssyncset.done $0x0  }
0x53: {  	s0 =	rddreg [dreg:$0xe];
	[sflag:s14] =	ssyncadd.s32 $0xFFFF8000  }
0x54: {  	[hbm4b:s0+s2] =	stream.linear.scatter [tilespmem:s2], [sflag:$0x2], $0x8000, $0x38;
	[tilespmem:$0x10000] =	vst v63  }
0x55: {  	s1 =	rddreg [dreg:$0xf]  }
0x56: {  	[hbm4b:s1+s2] =	stream.linear.scatter [tilespmem:s2], [sflag:$0x2], $0x8000, $0x38;
	[tilespmem:$0x10000] =	vst v63  }
0x57: {  	s0 =	rddreg [dreg:$0x10]  }
0x58: {  	[hbm4b:s0+s2] =	stream.linear.scatter [tilespmem:s2], [sflag:$0x2], $0x8000, $0x38;
	[tilespmem:$0x10000] =	vst v63  }
0x59: {  	s1 =	rddreg [dreg:$0x11]  }
0x5a: {  	[hbm4b:s1+s2] =	stream.linear.scatter [tilespmem:s2], [sflag:$0x2], $0x8000, $0x38;
	[tilespmem:$0x10000] =	vst v63  }
0x5b: {  	_ =	swait.ge [sflag:s3], $0x8000  }
0x5c: {  	[sflag:s3] =	ssyncset.done $0x0  }
0x5d: {  	[sflag:s3] =	ssyncadd.s32 $0xFFFF8000  }
0x5e: {  	_ =	swait.ge [sflag:s3], $0x8000  }
0x5f: {  	[sflag:s3] =	ssyncset.done $0x0  }
0x60: {  	[sflag:s3] =	ssyncadd.s32 $0xFFFF8000  }
0x61: {  	_ =	swait.ge [sflag:s3], $0x8000  }
0x62: {  	[sflag:s3] =	ssyncset.done $0x0  }
0x63: {  	[sflag:s3] =	ssyncadd.s32 $0xFFFF8000  }
0x64: {  	_ =	swait.ge [sflag:s3], $0x8000  }
0x65: {  	[sflag:s3] =	ssyncset.done $0x0  }
0x66: {  	[sflag:s3] =	ssyncadd.s32 $0xFFFF8000  }
0x67: {  	[tilespmem:s2], [sflag:$0x1] =	stream.linear.gather [hbm4b:s30+s2], $0x8000, $0x38;
	[tilespmem:$0x10000] =	vst v63  }
0x68: {  	_ =	swait.ge [sflag:s14], $0x8000  }
0x69: {  	[sflag:s14] =	ssyncset.done $0x0  }
0x6a: {  	[sflag:s14] =	ssyncadd.s32 $0xFFFF8000  }
0x6b: {  	[hbm4b:s25+s2] =	stream.linear.scatter [tilespmem:s12], [sflag:$0x2], $0x8000, $0x38;
	[tilespmem:$0x10000] =	vst v63  }
0x6c: {  	_ = 	snop  }
0x6d: {  	[hbm4b:s26+s2] =	stream.linear.scatter [tilespmem:s12], [sflag:$0x2], $0x8000, $0x38;
	[tilespmem:$0x10000] =	vst v63  }
0x6e: {  	_ = 	snop  }
0x6f: {  	[hbm4b:s28+s2] =	stream.linear.scatter [tilespmem:s12], [sflag:$0x2], $0x8000, $0x38;
	[tilespmem:$0x10000] =	vst v63  }
0x70: {  	_ = 	snop  }
0x71: {  	[hbm4b:s29+s2] =	stream.linear.scatter [tilespmem:s12], [sflag:$0x2], $0x8000, $0x38;
	[tilespmem:$0x10000] =	vst v63  }
0x72: {  	_ =	swait.ge [sflag:s3], $0x8000  }
0x73: {  	[sflag:s3] =	ssyncset.done $0x0  }
0x74: {  	[sflag:s3] =	ssyncadd.s32 $0xFFFF8000  }
0x75: {  	_ =	swait.ge [sflag:s3], $0x8000  }
0x76: {  	[sflag:s3] =	ssyncset.done $0x0  }
0x77: {  	[sflag:s3] =	ssyncadd.s32 $0xFFFF8000  }
0x78: {  	_ =	swait.ge [sflag:s3], $0x8000  }
0x79: {  	[sflag:s3] =	ssyncset.done $0x0  }
0x7a: {  	[sflag:s3] =	ssyncadd.s32 $0xFFFF8000  }
0x7b: {  	_ =	swait.ge [sflag:s3], $0x8000  }
0x7c: {  	[sflag:s3] =	ssyncset.done $0x0  }
0x7d: {  	[sflag:s3] =	ssyncadd.s32 $0xFFFF8000  }
0x7e: {  	[tilespmem:s12], [sflag:$0x1] =	stream.linear.gather [hbm4b:s24+s2], $0x8000, $0x38;
	[tilespmem:$0x10000] =	vst v63  }
0x7f: {  	_ =	swait.ge [sflag:s14], $0x8000  }
0x80: {  	[sflag:s14] =	ssyncset.done $0x0  }
0x81: {  	[sflag:s14] =	ssyncadd.s32 $0xFFFF8000  }
0x82: {  	[hbm4b:s20+s2] =	stream.linear.scatter [tilespmem:s2], [sflag:$0x2], $0x8000, $0x38;
	[tilespmem:$0x10000] =	vst v63  }
0x83: {  	_ = 	snop  }
0x84: {  	[hbm4b:s21+s2] =	stream.linear.scatter [tilespmem:s2], [sflag:$0x2], $0x8000, $0x38;
	[tilespmem:$0x10000] =	vst v63  }
0x85: {  	_ = 	snop  }
0x86: {  	[hbm4b:s22+s2] =	stream.linear.scatter [tilespmem:s2], [sflag:$0x2], $0x8000, $0x38;
	[tilespmem:$0x10000] =	vst v63  }
0x87: {  	_ = 	snop  }
0x88: {  	[hbm4b:s23+s2] =	stream.linear.scatter [tilespmem:s2], [sflag:$0x2], $0x8000, $0x38;
	[tilespmem:$0x10000] =	vst v63  }
0x89: {  	_ =	swait.ge [sflag:s3], $0x8000  }
0x8a: {  	[sflag:s3] =	ssyncset.done $0x0  }
0x8b: {  	[sflag:s3] =	ssyncadd.s32 $0xFFFF8000  }
0x8c: {  	_ =	swait.ge [sflag:s3], $0x8000  }
0x8d: {  	[sflag:s3] =	ssyncset.done $0x0  }
0x8e: {  	[sflag:s3] =	ssyncadd.s32 $0xFFFF8000  }
0x8f: {  	_ =	swait.ge [sflag:s3], $0x8000  }
0x90: {  	[sflag:s3] =	ssyncset.done $0x0  }
0x91: {  	[sflag:s3] =	ssyncadd.s32 $0xFFFF8000  }
0x92: {  	_ =	swait.ge [sflag:s3], $0x8000  }
0x93: {  	[sflag:s3] =	ssyncset.done $0x0  }
0x94: {  	[sflag:s3] =	ssyncadd.s32 $0xFFFF8000  }
0x95: {  	[tilespmem:s2], [sflag:$0x1] =	stream.linear.gather [hbm4b:s19+s2], $0x8000, $0x38;
	[tilespmem:$0x10000] =	vst v63  }
0x96: {  	_ =	swait.ge [sflag:s14], $0x8000  }
0x97: {  	[sflag:s14] =	ssyncset.done $0x0  }
0x98: {  	[sflag:s14] =	ssyncadd.s32 $0xFFFF8000  }
0x99: {  	[hbm4b:s15+s2] =	stream.linear.scatter [tilespmem:s12], [sflag:$0x2], $0x8000, $0x38;
	[tilespmem:$0x10000] =	vst v63  }
0x9a: {  	_ = 	snop  }
0x9b: {  	[hbm4b:s16+s2] =	stream.linear.scatter [tilespmem:s12], [sflag:$0x2], $0x8000, $0x38;
	[tilespmem:$0x10000] =	vst v63  }
0x9c: {  	_ = 	snop  }
0x9d: {  	[hbm4b:s17+s2] =	stream.linear.scatter [tilespmem:s12], [sflag:$0x2], $0x8000, $0x38;
	[tilespmem:$0x10000] =	vst v63  }
0x9e: {  	_ = 	snop  }
0x9f: {  	[hbm4b:s18+s2] =	stream.linear.scatter [tilespmem:s12], [sflag:$0x2], $0x8000, $0x38;
	[tilespmem:$0x10000] =	vst v63  }
0xa0: {  	_ =	swait.ge [sflag:s3], $0x8000  }
0xa1: {  	[sflag:s3] =	ssyncset.done $0x0  }
0xa2: {  	[sflag:s3] =	ssyncadd.s32 $0xFFFF8000  }
0xa3: {  	_ =	swait.ge [sflag:s3], $0x8000  }
0xa4: {  	[sflag:s3] =	ssyncset.done $0x0  }
0xa5: {  	[sflag:s3] =	ssyncadd.s32 $0xFFFF8000  }
0xa6: {  	_ =	swait.ge [sflag:s3], $0x8000  }
0xa7: {  	[sflag:s3] =	ssyncset.done $0x0  }
0xa8: {  	[sflag:s3] =	ssyncadd.s32 $0xFFFF8000  }
0xa9: {  	_ =	swait.ge [sflag:s3], $0x8000  }
0xaa: {  	[sflag:s3] =	ssyncset.done $0x0  }
0xab: {  	[sflag:s3] =	ssyncadd.s32 $0xFFFF8000  }
0xac: {  	[tilespmem:s12], [sflag:$0x1] =	stream.linear.gather [hbm4b:s13+s2], $0x8000, $0x38;
	[tilespmem:$0x10000] =	vst v63  }
0xad: {  	_ =	swait.ge [sflag:s14], $0x8000  }
0xae: {  	[sflag:s14] =	ssyncset.done $0x0  }
0xaf: {  	[sflag:s14] =	ssyncadd.s32 $0xFFFF8000  }
0xb0: {  	[hbm4b:s5+s2] =	stream.linear.scatter [tilespmem:s2], [sflag:$0x2], $0x8000, $0x38;
	[tilespmem:$0x10000] =	vst v63  }
0xb1: {  	_ = 	snop  }
0xb2: {  	[hbm4b:s6+s2] =	stream.linear.scatter [tilespmem:s2], [sflag:$0x2], $0x8000, $0x38;
	[tilespmem:$0x10000] =	vst v63  }
0xb3: {  	_ = 	snop  }
0xb4: {  	[hbm4b:s7+s2] =	stream.linear.scatter [tilespmem:s2], [sflag:$0x2], $0x8000, $0x38;
	[tilespmem:$0x10000] =	vst v63  }
0xb5: {  	_ = 	snop  }
0xb6: {  	[hbm4b:s11+s2] =	stream.linear.scatter [tilespmem:s2], [sflag:$0x2], $0x8000, $0x38;
	[tilespmem:$0x10000] =	vst v63  }
0xb7: {  	_ =	swait.ge [sflag:s14], $0x8000  }
0xb8: {  	[sflag:s14] =	ssyncset.done $0x0  }
0xb9: {  	[sflag:s14] =	ssyncadd.s32 $0xFFFF8000  }
0xba: {  	[hbm4b:s4+s2] =	stream.linear.scatter [tilespmem:s12], [sflag:$0x2], $0x8000, $0x38;
	[tilespmem:$0x10000] =	vst v63  }
0xbb: {  	_ = 	snop  }
0xbc: {  	[hbm4b:s8+s2] =	stream.linear.scatter [tilespmem:s12], [sflag:$0x2], $0x8000, $0x38;
	[tilespmem:$0x10000] =	vst v63  }
0xbd: {  	_ = 	snop  }
0xbe: {  	[hbm4b:s9+s2] =	stream.linear.scatter [tilespmem:s12], [sflag:$0x2], $0x8000, $0x38;
	[tilespmem:$0x10000] =	vst v63  }
0xbf: {  	_ = 	snop  }
0xc0: {  	[hbm4b:s10+s2] =	stream.linear.scatter [tilespmem:s12], [sflag:$0x2], $0x8000, $0x38;
	[tilespmem:$0x10000] =	vst v63  }
0xc1: {  	_ =	swait.ge [sflag:s3], $0x8000  }
0xc2: {  	[sflag:s3] =	ssyncset.done $0x0  }
0xc3: {  	[sflag:s3] =	ssyncadd.s32 $0xFFFF8000  }
0xc4: {  	_ =	swait.ge [sflag:s3], $0x8000  }
0xc5: {  	[sflag:s3] =	ssyncset.done $0x0  }
0xc6: {  	[sflag:s3] =	ssyncadd.s32 $0xFFFF8000  }
0xc7: {  	_ =	swait.ge [sflag:s3], $0x8000  }
0xc8: {  	[sflag:s3] =	ssyncset.done $0x0  }
0xc9: {  	[sflag:s3] =	ssyncadd.s32 $0xFFFF8000  }
0xca: {  	_ =	swait.ge [sflag:s3], $0x8000  }
0xcb: {  	[sflag:s3] =	ssyncset.done $0x0  }
0xcc: {  	[sflag:s3] =	ssyncadd.s32 $0xFFFF8000  }
0xcd: {  	_ =	swait.ge [sflag:s3], $0x8000  }
0xce: {  	[sflag:s3] =	ssyncset.done $0x0  }
0xcf: {  	[sflag:s3] =	ssyncadd.s32 $0xFFFF8000  }
0xd0: {  	_ =	swait.ge [sflag:s3], $0x8000  }
0xd1: {  	[sflag:s3] =	ssyncset.done $0x0  }
0xd2: {  	[sflag:s3] =	ssyncadd.s32 $0xFFFF8000  }
0xd3: {  	_ =	swait.ge [sflag:s3], $0x8000  }
0xd4: {  	s1 =	rddreg [dreg:$0x13]  }
0xd5: {  	p1 =	sne.s32 s1, $0x1  }
.Ltmp1:
0xd6: {  	_ = 	snop;
	(pc) =	sbr.rel @!p1 .LBB2_2-.Ltmp1, $4  }
0xd7: {  	[sflag:s3] =	ssyncset.done $0x0  }
0xd8: {  	[sflag:s3] =	ssyncadd.s32 $0xFFFF8000  }
0xd9: {  	p0 =	por $0x1, $0x1;
	_ =	swait.ge [sflag:s3], $0x8000;
	[dreg:$0x12] =	wrdreg s31  }
0xda: {  	s0 =	sadd.s32 $0xFFFFFFFF, s1;
	s1 =	rddreg [dreg:$0x3];
	[sflag:s3] =	ssyncset.done $0x0  }
.LBB2_3:
0xdb: {  	[sflag:s3] =	ssyncadd.s32 $0xFFFF8000;
	s31 =	smov.u32 s30  }
0xdc: {  	s30 =	smov.u32 s29;
	s29 =	smov.u32 s28;
	s28 =	smov.u32 s26  }
0xdd: {  	s26 =	smov.u32 s25;
	s25 =	smov.u32 s24;
	s24 =	smov.u32 s23  }
0xde: {  	s23 =	smov.u32 s22;
	s22 =	smov.u32 s21;
	s21 =	smov.u32 s20  }
0xdf: {  	s20 =	smov.u32 s19;
	s19 =	smov.u32 s18;
	s18 =	smov.u32 s17  }
0xe0: {  	s17 =	smov.u32 s16;
	s16 =	smov.u32 s15;
	s15 =	smov.u32 s13  }
0xe1: {  	s13 =	smov.u32 s11;
	s11 =	smov.u32 s10;
	s10 =	smov.u32 s9  }
0xe2: {  	s9 =	smov.u32 s8;
	s8 =	smov.u32 s7;
	s7 =	smov.u32 s6  }
0xe3: {  	[tilespmem:s2], [sflag:$0x1] =	stream.linear.gather [hbm4b:s1+s2], $0x8000, $0x38;
	[tilespmem:$0x10000] =	vst v63  }
0xe4: {  	s6 =	smov.u32 s5;
	s5 =	smov.u32 s4;
	s4 =	rddreg [dreg:$0x4]  }
0xe5: {  	[tilespmem:s12], [sflag:$0x1] =	stream.linear.gather [hbm4b:s4+s2], $0x8000, $0x38;
	[tilespmem:$0x10000] =	vst v63  }
0xe6: {  	_ =	swait.ge [sflag:s14], $0x8000  }
0xe7: {  	[sflag:s14] =	ssyncset.done $0x0  }
0xe8: {  	s4 =	rddreg [dreg:$0x12];
	[sflag:s14] =	ssyncadd.s32 $0xFFFF8000  }
0xe9: {  	[hbm4b:s4+s2] =	stream.linear.scatter [tilespmem:s2], [sflag:$0x2], $0x8000, $0x38;
	[tilespmem:$0x10000] =	vst v63  }
0xea: {  	s1 =	rddreg [dreg:$0x5]  }
0xeb: {  	[hbm4b:s1+s2] =	stream.linear.scatter [tilespmem:s2], [sflag:$0x2], $0x8000, $0x38;
	[tilespmem:$0x10000] =	vst v63  }
0xec: {  	s4 =	rddreg [dreg:$0x6]  }
0xed: {  	[hbm4b:s4+s2] =	stream.linear.scatter [tilespmem:s2], [sflag:$0x2], $0x8000, $0x38;
	[tilespmem:$0x10000] =	vst v63  }
0xee: {  	s1 =	rddreg [dreg:$0x7]  }
0xef: {  	[hbm4b:s1+s2] =	stream.linear.scatter [tilespmem:s2], [sflag:$0x2], $0x8000, $0x38;
	[tilespmem:$0x10000] =	vst v63  }
0xf0: {  	_ =	swait.ge [sflag:s3], $0x8000  }
0xf1: {  	[sflag:s3] =	ssyncset.done $0x0  }
0xf2: {  	[sflag:s3] =	ssyncadd.s32 $0xFFFF8000  }
0xf3: {  	_ =	swait.ge [sflag:s3], $0x8000  }
0xf4: {  	[sflag:s3] =	ssyncset.done $0x0  }
0xf5: {  	[sflag:s3] =	ssyncadd.s32 $0xFFFF8000  }
0xf6: {  	_ =	swait.ge [sflag:s3], $0x8000  }
0xf7: {  	[sflag:s3] =	ssyncset.done $0x0  }
0xf8: {  	[sflag:s3] =	ssyncadd.s32 $0xFFFF8000  }
0xf9: {  	_ =	swait.ge [sflag:s3], $0x8000  }
0xfa: {  	[sflag:s3] =	ssyncset.done $0x0  }
0xfb: {  	s4 =	rddreg [dreg:$0x8];
	[sflag:s3] =	ssyncadd.s32 $0xFFFF8000  }
0xfc: {  	[tilespmem:s2], [sflag:$0x1] =	stream.linear.gather [hbm4b:s4+s2], $0x8000, $0x38;
	[tilespmem:$0x10000] =	vst v63  }
0xfd: {  	_ =	swait.ge [sflag:s14], $0x8000  }
0xfe: {  	[sflag:s14] =	ssyncset.done $0x0  }
0xff: {  	s1 =	rddreg [dreg:$0x9];
	[sflag:s14] =	ssyncadd.s32 $0xFFFF8000  }
0x100: {  	[hbm4b:s1+s2] =	stream.linear.scatter [tilespmem:s12], [sflag:$0x2], $0x8000, $0x38;
	[tilespmem:$0x10000] =	vst v63  }
0x101: {  	s4 =	rddreg [dreg:$0xa]  }
0x102: {  	[hbm4b:s4+s2] =	stream.linear.scatter [tilespmem:s12], [sflag:$0x2], $0x8000, $0x38;
	[tilespmem:$0x10000] =	vst v63  }
0x103: {  	s1 =	rddreg [dreg:$0xb]  }
0x104: {  	[hbm4b:s1+s2] =	stream.linear.scatter [tilespmem:s12], [sflag:$0x2], $0x8000, $0x38;
	[tilespmem:$0x10000] =	vst v63  }
0x105: {  	s4 =	rddreg [dreg:$0xc]  }
0x106: {  	[hbm4b:s4+s2] =	stream.linear.scatter [tilespmem:s12], [sflag:$0x2], $0x8000, $0x38;
	[tilespmem:$0x10000] =	vst v63  }
0x107: {  	_ =	swait.ge [sflag:s3], $0x8000  }
0x108: {  	[sflag:s3] =	ssyncset.done $0x0  }
0x109: {  	[sflag:s3] =	ssyncadd.s32 $0xFFFF8000  }
0x10a: {  	_ =	swait.ge [sflag:s3], $0x8000  }
0x10b: {  	[sflag:s3] =	ssyncset.done $0x0  }
0x10c: {  	[sflag:s3] =	ssyncadd.s32 $0xFFFF8000  }
0x10d: {  	_ =	swait.ge [sflag:s3], $0x8000  }
0x10e: {  	[sflag:s3] =	ssyncset.done $0x0  }
0x10f: {  	[sflag:s3] =	ssyncadd.s32 $0xFFFF8000  }
0x110: {  	_ =	swait.ge [sflag:s3], $0x8000  }
0x111: {  	[sflag:s3] =	ssyncset.done $0x0  }
0x112: {  	s4 =	rddreg [dreg:$0xd];
	[sflag:s3] =	ssyncadd.s32 $0xFFFF8000  }
0x113: {  	[tilespmem:s12], [sflag:$0x1] =	stream.linear.gather [hbm4b:s4+s2], $0x8000, $0x38;
	[tilespmem:$0x10000] =	vst v63  }
0x114: {  	_ =	swait.ge [sflag:s14], $0x8000  }
0x115: {  	[sflag:s14] =	ssyncset.done $0x0  }
0x116: {  	s1 =	rddreg [dreg:$0xe];
	[sflag:s14] =	ssyncadd.s32 $0xFFFF8000  }
0x117: {  	[hbm4b:s1+s2] =	stream.linear.scatter [tilespmem:s2], [sflag:$0x2], $0x8000, $0x38;
	[tilespmem:$0x10000] =	vst v63  }
0x118: {  	s4 =	rddreg [dreg:$0xf]  }
0x119: {  	[hbm4b:s4+s2] =	stream.linear.scatter [tilespmem:s2], [sflag:$0x2], $0x8000, $0x38;
	[tilespmem:$0x10000] =	vst v63  }
0x11a: {  	s1 =	rddreg [dreg:$0x10]  }
0x11b: {  	[hbm4b:s1+s2] =	stream.linear.scatter [tilespmem:s2], [sflag:$0x2], $0x8000, $0x38;
	[tilespmem:$0x10000] =	vst v63  }
0x11c: {  	s4 =	rddreg [dreg:$0x11]  }
0x11d: {  	[hbm4b:s4+s2] =	stream.linear.scatter [tilespmem:s2], [sflag:$0x2], $0x8000, $0x38;
	[tilespmem:$0x10000] =	vst v63  }
0x11e: {  	_ =	swait.ge [sflag:s3], $0x8000  }
0x11f: {  	[sflag:s3] =	ssyncset.done $0x0  }
0x120: {  	[sflag:s3] =	ssyncadd.s32 $0xFFFF8000  }
0x121: {  	_ =	swait.ge [sflag:s3], $0x8000  }
0x122: {  	[sflag:s3] =	ssyncset.done $0x0  }
0x123: {  	s4 =	smov.u32 s5;
	s5 =	smov.u32 s6;
	[sflag:s3] =	ssyncadd.s32 $0xFFFF8000  }
0x124: {  	s6 =	smov.u32 s7;
	s7 =	smov.u32 s8;
	_ =	swait.ge [sflag:s3], $0x8000  }
0x125: {  	s8 =	smov.u32 s9;
	s9 =	smov.u32 s10;
	[sflag:s3] =	ssyncset.done $0x0  }
0x126: {  	s10 =	smov.u32 s11;
	s11 =	smov.u32 s13;
	[sflag:s3] =	ssyncadd.s32 $0xFFFF8000  }
0x127: {  	s13 =	smov.u32 s15;
	s15 =	smov.u32 s16;
	_ =	swait.ge [sflag:s3], $0x8000  }
0x128: {  	s16 =	smov.u32 s17;
	s17 =	smov.u32 s18;
	[sflag:s3] =	ssyncset.done $0x0  }
0x129: {  	s18 =	smov.u32 s19;
	s19 =	smov.u32 s20;
	[sflag:s3] =	ssyncadd.s32 $0xFFFF8000  }
0x12a: {  	[tilespmem:s2], [sflag:$0x1] =	stream.linear.gather [hbm4b:s31+s2], $0x8000, $0x38;
	[tilespmem:$0x10000] =	vst v63  }
0x12b: {  	s20 =	smov.u32 s21;
	s21 =	smov.u32 s22;
	_ =	swait.ge [sflag:s14], $0x8000  }
0x12c: {  	s22 =	smov.u32 s23;
	s23 =	smov.u32 s24;
	[sflag:s14] =	ssyncset.done $0x0  }
0x12d: {  	s24 =	smov.u32 s25;
	s25 =	smov.u32 s26;
	[sflag:s14] =	ssyncadd.s32 $0xFFFF8000  }
0x12e: {  	[hbm4b:s25+s2] =	stream.linear.scatter [tilespmem:s12], [sflag:$0x2], $0x8000, $0x38;
	[tilespmem:$0x10000] =	vst v63  }
0x12f: {  	s26 =	smov.u32 s28  }
0x130: {  	[hbm4b:s26+s2] =	stream.linear.scatter [tilespmem:s12], [sflag:$0x2], $0x8000, $0x38;
	[tilespmem:$0x10000] =	vst v63  }
0x131: {  	s28 =	smov.u32 s29  }
0x132: {  	[hbm4b:s28+s2] =	stream.linear.scatter [tilespmem:s12], [sflag:$0x2], $0x8000, $0x38;
	[tilespmem:$0x10000] =	vst v63  }
0x133: {  	s29 =	smov.u32 s30  }
0x134: {  	[hbm4b:s29+s2] =	stream.linear.scatter [tilespmem:s12], [sflag:$0x2], $0x8000, $0x38;
	[tilespmem:$0x10000] =	vst v63  }
0x135: {  	_ =	swait.ge [sflag:s3], $0x8000  }
0x136: {  	[sflag:s3] =	ssyncset.done $0x0  }
0x137: {  	[sflag:s3] =	ssyncadd.s32 $0xFFFF8000  }
0x138: {  	_ =	swait.ge [sflag:s3], $0x8000  }
0x139: {  	[sflag:s3] =	ssyncset.done $0x0  }
0x13a: {  	[sflag:s3] =	ssyncadd.s32 $0xFFFF8000  }
0x13b: {  	_ =	swait.ge [sflag:s3], $0x8000  }
0x13c: {  	[sflag:s3] =	ssyncset.done $0x0  }
0x13d: {  	[sflag:s3] =	ssyncadd.s32 $0xFFFF8000  }
0x13e: {  	_ =	swait.ge [sflag:s3], $0x8000  }
0x13f: {  	[sflag:s3] =	ssyncset.done $0x0  }
0x140: {  	[sflag:s3] =	ssyncadd.s32 $0xFFFF8000  }
0x141: {  	[tilespmem:s12], [sflag:$0x1] =	stream.linear.gather [hbm4b:s24+s2], $0x8000, $0x38;
	[tilespmem:$0x10000] =	vst v63  }
0x142: {  	_ =	swait.ge [sflag:s14], $0x8000  }
0x143: {  	[sflag:s14] =	ssyncset.done $0x0  }
0x144: {  	[sflag:s14] =	ssyncadd.s32 $0xFFFF8000  }
0x145: {  	[hbm4b:s20+s2] =	stream.linear.scatter [tilespmem:s2], [sflag:$0x2], $0x8000, $0x38;
	[tilespmem:$0x10000] =	vst v63  }
0x146: {  	_ = 	snop  }
0x147: {  	[hbm4b:s21+s2] =	stream.linear.scatter [tilespmem:s2], [sflag:$0x2], $0x8000, $0x38;
	[tilespmem:$0x10000] =	vst v63  }
0x148: {  	_ = 	snop  }
0x149: {  	[hbm4b:s22+s2] =	stream.linear.scatter [tilespmem:s2], [sflag:$0x2], $0x8000, $0x38;
	[tilespmem:$0x10000] =	vst v63  }
0x14a: {  	_ = 	snop  }
0x14b: {  	[hbm4b:s23+s2] =	stream.linear.scatter [tilespmem:s2], [sflag:$0x2], $0x8000, $0x38;
	[tilespmem:$0x10000] =	vst v63  }
0x14c: {  	_ =	swait.ge [sflag:s3], $0x8000  }
0x14d: {  	[sflag:s3] =	ssyncset.done $0x0  }
0x14e: {  	[sflag:s3] =	ssyncadd.s32 $0xFFFF8000  }
0x14f: {  	_ =	swait.ge [sflag:s3], $0x8000  }
0x150: {  	[sflag:s3] =	ssyncset.done $0x0  }
0x151: {  	[sflag:s3] =	ssyncadd.s32 $0xFFFF8000  }
0x152: {  	_ =	swait.ge [sflag:s3], $0x8000  }
0x153: {  	[sflag:s3] =	ssyncset.done $0x0  }
0x154: {  	[sflag:s3] =	ssyncadd.s32 $0xFFFF8000  }
0x155: {  	_ =	swait.ge [sflag:s3], $0x8000  }
0x156: {  	[sflag:s3] =	ssyncset.done $0x0  }
0x157: {  	[sflag:s3] =	ssyncadd.s32 $0xFFFF8000  }
0x158: {  	[tilespmem:s2], [sflag:$0x1] =	stream.linear.gather [hbm4b:s19+s2], $0x8000, $0x38;
	[tilespmem:$0x10000] =	vst v63  }
0x159: {  	_ =	swait.ge [sflag:s14], $0x8000  }
0x15a: {  	[sflag:s14] =	ssyncset.done $0x0  }
0x15b: {  	[sflag:s14] =	ssyncadd.s32 $0xFFFF8000  }
0x15c: {  	[hbm4b:s15+s2] =	stream.linear.scatter [tilespmem:s12], [sflag:$0x2], $0x8000, $0x38;
	[tilespmem:$0x10000] =	vst v63  }
0x15d: {  	_ = 	snop  }
0x15e: {  	[hbm4b:s16+s2] =	stream.linear.scatter [tilespmem:s12], [sflag:$0x2], $0x8000, $0x38;
	[tilespmem:$0x10000] =	vst v63  }
0x15f: {  	_ = 	snop  }
0x160: {  	[hbm4b:s17+s2] =	stream.linear.scatter [tilespmem:s12], [sflag:$0x2], $0x8000, $0x38;
	[tilespmem:$0x10000] =	vst v63  }
0x161: {  	_ = 	snop  }
0x162: {  	[hbm4b:s18+s2] =	stream.linear.scatter [tilespmem:s12], [sflag:$0x2], $0x8000, $0x38;
	[tilespmem:$0x10000] =	vst v63  }
0x163: {  	_ =	swait.ge [sflag:s3], $0x8000  }
0x164: {  	[sflag:s3] =	ssyncset.done $0x0  }
0x165: {  	[sflag:s3] =	ssyncadd.s32 $0xFFFF8000  }
0x166: {  	_ =	swait.ge [sflag:s3], $0x8000  }
0x167: {  	[sflag:s3] =	ssyncset.done $0x0  }
0x168: {  	[sflag:s3] =	ssyncadd.s32 $0xFFFF8000  }
0x169: {  	_ =	swait.ge [sflag:s3], $0x8000  }
0x16a: {  	[sflag:s3] =	ssyncset.done $0x0  }
0x16b: {  	[sflag:s3] =	ssyncadd.s32 $0xFFFF8000  }
0x16c: {  	_ =	swait.ge [sflag:s3], $0x8000  }
0x16d: {  	[sflag:s3] =	ssyncset.done $0x0  }
0x16e: {  	[sflag:s3] =	ssyncadd.s32 $0xFFFF8000  }
0x16f: {  	[tilespmem:s12], [sflag:$0x1] =	stream.linear.gather [hbm4b:s13+s2], $0x8000, $0x38;
	[tilespmem:$0x10000] =	vst v63  }
0x170: {  	_ =	swait.ge [sflag:s14], $0x8000  }
0x171: {  	[sflag:s14] =	ssyncset.done $0x0  }
0x172: {  	[sflag:s14] =	ssyncadd.s32 $0xFFFF8000  }
0x173: {  	[hbm4b:s5+s2] =	stream.linear.scatter [tilespmem:s2], [sflag:$0x2], $0x8000, $0x38;
	[tilespmem:$0x10000] =	vst v63  }
0x174: {  	_ = 	snop  }
0x175: {  	[hbm4b:s6+s2] =	stream.linear.scatter [tilespmem:s2], [sflag:$0x2], $0x8000, $0x38;
	[tilespmem:$0x10000] =	vst v63  }
0x176: {  	_ = 	snop  }
0x177: {  	[hbm4b:s7+s2] =	stream.linear.scatter [tilespmem:s2], [sflag:$0x2], $0x8000, $0x38;
	[tilespmem:$0x10000] =	vst v63  }
0x178: {  	_ = 	snop  }
0x179: {  	[hbm4b:s11+s2] =	stream.linear.scatter [tilespmem:s2], [sflag:$0x2], $0x8000, $0x38;
	[tilespmem:$0x10000] =	vst v63  }
0x17a: {  	_ =	swait.ge [sflag:s14], $0x8000  }
0x17b: {  	[sflag:s14] =	ssyncset.done $0x0  }
0x17c: {  	[sflag:s14] =	ssyncadd.s32 $0xFFFF8000  }
0x17d: {  	[hbm4b:s4+s2] =	stream.linear.scatter [tilespmem:s12], [sflag:$0x2], $0x8000, $0x38;
	[tilespmem:$0x10000] =	vst v63  }
0x17e: {  	_ = 	snop  }
0x17f: {  	[hbm4b:s8+s2] =	stream.linear.scatter [tilespmem:s12], [sflag:$0x2], $0x8000, $0x38;
	[tilespmem:$0x10000] =	vst v63  }
0x180: {  	_ = 	snop  }
0x181: {  	[hbm4b:s9+s2] =	stream.linear.scatter [tilespmem:s12], [sflag:$0x2], $0x8000, $0x38;
	[tilespmem:$0x10000] =	vst v63  }
0x182: {  	_ = 	snop  }
0x183: {  	[hbm4b:s10+s2] =	stream.linear.scatter [tilespmem:s12], [sflag:$0x2], $0x8000, $0x38;
	[tilespmem:$0x10000] =	vst v63  }
0x184: {  	_ =	swait.ge [sflag:s3], $0x8000  }
0x185: {  	[sflag:s3] =	ssyncset.done $0x0  }
0x186: {  	[sflag:s3] =	ssyncadd.s32 $0xFFFF8000  }
0x187: {  	_ =	swait.ge [sflag:s3], $0x8000  }
0x188: {  	[sflag:s3] =	ssyncset.done $0x0  }
0x189: {  	[sflag:s3] =	ssyncadd.s32 $0xFFFF8000  }
0x18a: {  	_ =	swait.ge [sflag:s3], $0x8000  }
0x18b: {  	[sflag:s3] =	ssyncset.done $0x0  }
0x18c: {  	[sflag:s3] =	ssyncadd.s32 $0xFFFF8000  }
0x18d: {  	_ =	swait.ge [sflag:s3], $0x8000  }
0x18e: {  	[sflag:s3] =	ssyncset.done $0x0  }
0x18f: {  	[sflag:s3] =	ssyncadd.s32 $0xFFFF8000  }
0x190: {  	_ =	swait.ge [sflag:s3], $0x8000  }
0x191: {  	[sflag:s3] =	ssyncset.done $0x0  }
0x192: {  	[sflag:s3] =	ssyncadd.s32 $0xFFFF8000  }
0x193: {  	_ =	swait.ge [sflag:s3], $0x8000  }
0x194: {  	[sflag:s3] =	ssyncset.done $0x0  }
0x195: {  	p1 =	sne.s32 s0, $0x1;
	[sflag:s3] =	ssyncadd.s32 $0xFFFF8000  }
.Ltmp2:
0x196: {  	_ =	swait.ge [sflag:s3], $0x8000;
	(pc) =	sbr.rel @p1 .LBB2_3-.Ltmp2, $4  }
0x197: {  	[sflag:s3] =	ssyncset.done $0x0  }
0x198: {  	[sflag:s3] =	ssyncadd.s32 $0xFFFF8000  }
0x199: {  	s0 =	sadd.s32 $0xFFFFFFFF, s0;
	_ =	swait.ge [sflag:s3], $0x8000  }
0x19a: {  	s30 =	smov.u32 s31;
	s1 =	rddreg [dreg:$0x3];
	[sflag:s3] =	ssyncset.done $0x0  }
0x19b: {  	s31 =	rddreg [dreg:$0x12]  }
.LBB2_5:
0x19c: {  	[sflag:s3] =	ssyncadd.s32 @p0 $0xFFFF8000  }
0x19d: {  	[tilespmem:s2], [sflag:$0x1] =	stream.linear.gather [hbm4b:s1+s2], $0x8000, $0x38;
	[tilespmem:$0x10000] =	vst v63  }
0x19e: {  	s0 =	rddreg [dreg:$0x4]  }
0x19f: {  	[tilespmem:s12], [sflag:$0x1] =	stream.linear.gather [hbm4b:s0+s2], $0x8000, $0x38;
	[tilespmem:$0x10000] =	vst v63  }
0x1a0: {  	_ =	swait.ge [sflag:s14], $0x8000  }
0x1a1: {  	[sflag:s14] =	ssyncset.done $0x0  }
0x1a2: {  	[sflag:s14] =	ssyncadd.s32 $0xFFFF8000  }
0x1a3: {  	[hbm4b:s31+s2] =	stream.linear.scatter [tilespmem:s2], [sflag:$0x2], $0x8000, $0x38;
	[tilespmem:$0x10000] =	vst v63  }
0x1a4: {  	s0 =	rddreg [dreg:$0x5]  }
0x1a5: {  	[hbm4b:s0+s2] =	stream.linear.scatter [tilespmem:s2], [sflag:$0x2], $0x8000, $0x38;
	[tilespmem:$0x10000] =	vst v63  }
0x1a6: {  	s1 =	rddreg [dreg:$0x6]  }
0x1a7: {  	[hbm4b:s1+s2] =	stream.linear.scatter [tilespmem:s2], [sflag:$0x2], $0x8000, $0x38;
	[tilespmem:$0x10000] =	vst v63  }
0x1a8: {  	s31 =	rddreg [dreg:$0x7]  }
0x1a9: {  	[hbm4b:s31+s2] =	stream.linear.scatter [tilespmem:s2], [sflag:$0x2], $0x8000, $0x38;
	[tilespmem:$0x10000] =	vst v63  }
0x1aa: {  	_ =	swait.ge [sflag:s3], $0x8000  }
0x1ab: {  	[sflag:s3] =	ssyncset.done $0x0  }
0x1ac: {  	[sflag:s3] =	ssyncadd.s32 $0xFFFF8000  }
0x1ad: {  	_ =	swait.ge [sflag:s3], $0x8000  }
0x1ae: {  	[sflag:s3] =	ssyncset.done $0x0  }
0x1af: {  	[sflag:s3] =	ssyncadd.s32 $0xFFFF8000  }
0x1b0: {  	_ =	swait.ge [sflag:s3], $0x8000  }
0x1b1: {  	[sflag:s3] =	ssyncset.done $0x0  }
0x1b2: {  	[sflag:s3] =	ssyncadd.s32 $0xFFFF8000  }
0x1b3: {  	_ =	swait.ge [sflag:s3], $0x8000  }
0x1b4: {  	[sflag:s3] =	ssyncset.done $0x0  }
0x1b5: {  	s31 =	rddreg [dreg:$0x8];
	[sflag:s3] =	ssyncadd.s32 $0xFFFF8000  }
0x1b6: {  	[tilespmem:s2], [sflag:$0x1] =	stream.linear.gather [hbm4b:s31+s2], $0x8000, $0x38;
	[tilespmem:$0x10000] =	vst v63  }
0x1b7: {  	_ =	swait.ge [sflag:s14], $0x8000  }
0x1b8: {  	[sflag:s14] =	ssyncset.done $0x0  }
0x1b9: {  	s1 =	rddreg [dreg:$0x9];
	[sflag:s14] =	ssyncadd.s32 $0xFFFF8000  }
0x1ba: {  	[hbm4b:s1+s2] =	stream.linear.scatter [tilespmem:s12], [sflag:$0x2], $0x8000, $0x38;
	[tilespmem:$0x10000] =	vst v63  }
0x1bb: {  	s31 =	rddreg [dreg:$0xa]  }
0x1bc: {  	[hbm4b:s31+s2] =	stream.linear.scatter [tilespmem:s12], [sflag:$0x2], $0x8000, $0x38;
	[tilespmem:$0x10000] =	vst v63  }
0x1bd: {  	s0 =	rddreg [dreg:$0xb]  }
0x1be: {  	[hbm4b:s0+s2] =	stream.linear.scatter [tilespmem:s12], [sflag:$0x2], $0x8000, $0x38;
	[tilespmem:$0x10000] =	vst v63  }
0x1bf: {  	s31 =	rddreg [dreg:$0xc]  }
0x1c0: {  	[hbm4b:s31+s2] =	stream.linear.scatter [tilespmem:s12], [sflag:$0x2], $0x8000, $0x38;
	[tilespmem:$0x10000] =	vst v63  }
0x1c1: {  	_ =	swait.ge [sflag:s3], $0x8000  }
0x1c2: {  	[sflag:s3] =	ssyncset.done $0x0  }
0x1c3: {  	[sflag:s3] =	ssyncadd.s32 $0xFFFF8000  }
0x1c4: {  	_ =	swait.ge [sflag:s3], $0x8000  }
0x1c5: {  	[sflag:s3] =	ssyncset.done $0x0  }
0x1c6: {  	[sflag:s3] =	ssyncadd.s32 $0xFFFF8000  }
0x1c7: {  	_ =	swait.ge [sflag:s3], $0x8000  }
0x1c8: {  	[sflag:s3] =	ssyncset.done $0x0  }
0x1c9: {  	[sflag:s3] =	ssyncadd.s32 $0xFFFF8000  }
0x1ca: {  	_ =	swait.ge [sflag:s3], $0x8000  }
0x1cb: {  	[sflag:s3] =	ssyncset.done $0x0  }
0x1cc: {  	s31 =	rddreg [dreg:$0xd];
	[sflag:s3] =	ssyncadd.s32 $0xFFFF8000  }
0x1cd: {  	[tilespmem:s12], [sflag:$0x1] =	stream.linear.gather [hbm4b:s31+s2], $0x8000, $0x38;
	[tilespmem:$0x10000] =	vst v63  }
0x1ce: {  	_ =	swait.ge [sflag:s14], $0x8000  }
0x1cf: {  	[sflag:s14] =	ssyncset.done $0x0  }
0x1d0: {  	s1 =	rddreg [dreg:$0xe];
	[sflag:s14] =	ssyncadd.s32 $0xFFFF8000  }
0x1d1: {  	[hbm4b:s1+s2] =	stream.linear.scatter [tilespmem:s2], [sflag:$0x2], $0x8000, $0x38;
	[tilespmem:$0x10000] =	vst v63  }
0x1d2: {  	s31 =	rddreg [dreg:$0xf]  }
0x1d3: {  	[hbm4b:s31+s2] =	stream.linear.scatter [tilespmem:s2], [sflag:$0x2], $0x8000, $0x38;
	[tilespmem:$0x10000] =	vst v63  }
0x1d4: {  	s0 =	rddreg [dreg:$0x10]  }
0x1d5: {  	[hbm4b:s0+s2] =	stream.linear.scatter [tilespmem:s2], [sflag:$0x2], $0x8000, $0x38;
	[tilespmem:$0x10000] =	vst v63  }
0x1d6: {  	s31 =	rddreg [dreg:$0x11]  }
0x1d7: {  	[hbm4b:s31+s2] =	stream.linear.scatter [tilespmem:s2], [sflag:$0x2], $0x8000, $0x38;
	[tilespmem:$0x10000] =	vst v63  }
0x1d8: {  	_ =	swait.ge [sflag:s3], $0x8000  }
0x1d9: {  	[sflag:s3] =	ssyncset.done $0x0  }
0x1da: {  	[sflag:s3] =	ssyncadd.s32 $0xFFFF8000  }
0x1db: {  	_ =	swait.ge [sflag:s3], $0x8000  }
0x1dc: {  	[sflag:s3] =	ssyncset.done $0x0  }
0x1dd: {  	[sflag:s3] =	ssyncadd.s32 $0xFFFF8000  }
0x1de: {  	_ =	swait.ge [sflag:s3], $0x8000  }
0x1df: {  	[sflag:s3] =	ssyncset.done $0x0  }
0x1e0: {  	[sflag:s3] =	ssyncadd.s32 $0xFFFF8000  }
0x1e1: {  	_ =	swait.ge [sflag:s3], $0x8000  }
0x1e2: {  	[sflag:s3] =	ssyncset.done $0x0  }
0x1e3: {  	[sflag:s3] =	ssyncadd.s32 $0xFFFF8000  }
0x1e4: {  	[tilespmem:s2], [sflag:$0x1] =	stream.linear.gather [hbm4b:s30+s2], $0x8000, $0x38;
	[tilespmem:$0x10000] =	vst v63  }
0x1e5: {  	_ =	swait.ge [sflag:s14], $0x8000  }
0x1e6: {  	[sflag:s14] =	ssyncset.done $0x0  }
0x1e7: {  	[sflag:s14] =	ssyncadd.s32 $0xFFFF8000  }
0x1e8: {  	[hbm4b:s25+s2] =	stream.linear.scatter [tilespmem:s12], [sflag:$0x2], $0x8000, $0x38;
	[tilespmem:$0x10000] =	vst v63  }
0x1e9: {  	_ = 	snop  }
0x1ea: {  	[hbm4b:s26+s2] =	stream.linear.scatter [tilespmem:s12], [sflag:$0x2], $0x8000, $0x38;
	[tilespmem:$0x10000] =	vst v63  }
0x1eb: {  	_ = 	snop  }
0x1ec: {  	[hbm4b:s28+s2] =	stream.linear.scatter [tilespmem:s12], [sflag:$0x2], $0x8000, $0x38;
	[tilespmem:$0x10000] =	vst v63  }
0x1ed: {  	_ = 	snop  }
0x1ee: {  	[hbm4b:s29+s2] =	stream.linear.scatter [tilespmem:s12], [sflag:$0x2], $0x8000, $0x38;
	[tilespmem:$0x10000] =	vst v63  }
0x1ef: {  	_ =	swait.ge [sflag:s3], $0x8000  }
0x1f0: {  	[sflag:s3] =	ssyncset.done $0x0  }
0x1f1: {  	[sflag:s3] =	ssyncadd.s32 $0xFFFF8000  }
0x1f2: {  	_ =	swait.ge [sflag:s3], $0x8000  }
0x1f3: {  	[sflag:s3] =	ssyncset.done $0x0  }
0x1f4: {  	[sflag:s3] =	ssyncadd.s32 $0xFFFF8000  }
0x1f5: {  	_ =	swait.ge [sflag:s3], $0x8000  }
0x1f6: {  	[sflag:s3] =	ssyncset.done $0x0  }
0x1f7: {  	[sflag:s3] =	ssyncadd.s32 $0xFFFF8000  }
0x1f8: {  	_ =	swait.ge [sflag:s3], $0x8000  }
0x1f9: {  	[sflag:s3] =	ssyncset.done $0x0  }
0x1fa: {  	[sflag:s3] =	ssyncadd.s32 $0xFFFF8000  }
0x1fb: {  	[tilespmem:s12], [sflag:$0x1] =	stream.linear.gather [hbm4b:s24+s2], $0x8000, $0x38;
	[tilespmem:$0x10000] =	vst v63  }
0x1fc: {  	_ =	swait.ge [sflag:s14], $0x8000  }
0x1fd: {  	[sflag:s14] =	ssyncset.done $0x0  }
0x1fe: {  	[sflag:s14] =	ssyncadd.s32 $0xFFFF8000  }
0x1ff: {  	[hbm4b:s20+s2] =	stream.linear.scatter [tilespmem:s2], [sflag:$0x2], $0x8000, $0x38;
	[tilespmem:$0x10000] =	vst v63  }
0x200: {  	_ = 	snop  }
0x201: {  	[hbm4b:s21+s2] =	stream.linear.scatter [tilespmem:s2], [sflag:$0x2], $0x8000, $0x38;
	[tilespmem:$0x10000] =	vst v63  }
0x202: {  	_ = 	snop  }
0x203: {  	[hbm4b:s22+s2] =	stream.linear.scatter [tilespmem:s2], [sflag:$0x2], $0x8000, $0x38;
	[tilespmem:$0x10000] =	vst v63  }
0x204: {  	_ = 	snop  }
0x205: {  	[hbm4b:s23+s2] =	stream.linear.scatter [tilespmem:s2], [sflag:$0x2], $0x8000, $0x38;
	[tilespmem:$0x10000] =	vst v63  }
0x206: {  	_ =	swait.ge [sflag:s3], $0x8000  }
0x207: {  	[sflag:s3] =	ssyncset.done $0x0  }
0x208: {  	[sflag:s3] =	ssyncadd.s32 $0xFFFF8000  }
0x209: {  	_ =	swait.ge [sflag:s3], $0x8000  }
0x20a: {  	[sflag:s3] =	ssyncset.done $0x0  }
0x20b: {  	[sflag:s3] =	ssyncadd.s32 $0xFFFF8000  }
0x20c: {  	_ =	swait.ge [sflag:s3], $0x8000  }
0x20d: {  	[sflag:s3] =	ssyncset.done $0x0  }
0x20e: {  	[sflag:s3] =	ssyncadd.s32 $0xFFFF8000  }
0x20f: {  	_ =	swait.ge [sflag:s3], $0x8000  }
0x210: {  	[sflag:s3] =	ssyncset.done $0x0  }
0x211: {  	[sflag:s3] =	ssyncadd.s32 $0xFFFF8000  }
0x212: {  	[tilespmem:s2], [sflag:$0x1] =	stream.linear.gather [hbm4b:s19+s2], $0x8000, $0x38;
	[tilespmem:$0x10000] =	vst v63  }
0x213: {  	_ =	swait.ge [sflag:s14], $0x8000  }
0x214: {  	[sflag:s14] =	ssyncset.done $0x0  }
0x215: {  	[sflag:s14] =	ssyncadd.s32 $0xFFFF8000  }
0x216: {  	[hbm4b:s15+s2] =	stream.linear.scatter [tilespmem:s12], [sflag:$0x2], $0x8000, $0x38;
	[tilespmem:$0x10000] =	vst v63  }
0x217: {  	_ = 	snop  }
0x218: {  	[hbm4b:s16+s2] =	stream.linear.scatter [tilespmem:s12], [sflag:$0x2], $0x8000, $0x38;
	[tilespmem:$0x10000] =	vst v63  }
0x219: {  	_ = 	snop  }
0x21a: {  	[hbm4b:s17+s2] =	stream.linear.scatter [tilespmem:s12], [sflag:$0x2], $0x8000, $0x38;
	[tilespmem:$0x10000] =	vst v63  }
0x21b: {  	_ = 	snop  }
0x21c: {  	[hbm4b:s18+s2] =	stream.linear.scatter [tilespmem:s12], [sflag:$0x2], $0x8000, $0x38;
	[tilespmem:$0x10000] =	vst v63  }
0x21d: {  	_ =	swait.ge [sflag:s3], $0x8000  }
0x21e: {  	[sflag:s3] =	ssyncset.done $0x0  }
0x21f: {  	[sflag:s3] =	ssyncadd.s32 $0xFFFF8000  }
0x220: {  	_ =	swait.ge [sflag:s3], $0x8000  }
0x221: {  	[sflag:s3] =	ssyncset.done $0x0  }
0x222: {  	[sflag:s3] =	ssyncadd.s32 $0xFFFF8000  }
0x223: {  	_ =	swait.ge [sflag:s3], $0x8000  }
0x224: {  	[sflag:s3] =	ssyncset.done $0x0  }
0x225: {  	[sflag:s3] =	ssyncadd.s32 $0xFFFF8000  }
0x226: {  	_ =	swait.ge [sflag:s3], $0x8000  }
0x227: {  	[sflag:s3] =	ssyncset.done $0x0  }
0x228: {  	[sflag:s3] =	ssyncadd.s32 $0xFFFF8000  }
0x229: {  	[tilespmem:s12], [sflag:$0x1] =	stream.linear.gather [hbm4b:s13+s2], $0x8000, $0x38;
	[tilespmem:$0x10000] =	vst v63  }
0x22a: {  	_ =	swait.ge [sflag:s14], $0x8000  }
0x22b: {  	[sflag:s14] =	ssyncset.done $0x0  }
0x22c: {  	[sflag:s14] =	ssyncadd.s32 $0xFFFF8000  }
0x22d: {  	[hbm4b:s5+s2] =	stream.linear.scatter [tilespmem:s2], [sflag:$0x2], $0x8000, $0x38;
	[tilespmem:$0x10000] =	vst v63  }
0x22e: {  	_ = 	snop  }
0x22f: {  	[hbm4b:s6+s2] =	stream.linear.scatter [tilespmem:s2], [sflag:$0x2], $0x8000, $0x38;
	[tilespmem:$0x10000] =	vst v63  }
0x230: {  	_ = 	snop  }
0x231: {  	[hbm4b:s7+s2] =	stream.linear.scatter [tilespmem:s2], [sflag:$0x2], $0x8000, $0x38;
	[tilespmem:$0x10000] =	vst v63  }
0x232: {  	_ = 	snop  }
0x233: {  	[hbm4b:s11+s2] =	stream.linear.scatter [tilespmem:s2], [sflag:$0x2], $0x8000, $0x38;
	[tilespmem:$0x10000] =	vst v63  }
0x234: {  	_ =	swait.ge [sflag:s14], $0x8000  }
0x235: {  	[sflag:s14] =	ssyncset.done $0x0  }
0x236: {  	[sflag:s14] =	ssyncadd.s32 $0xFFFF8000  }
0x237: {  	[hbm4b:s4+s2] =	stream.linear.scatter [tilespmem:s12], [sflag:$0x2], $0x8000, $0x38;
	[tilespmem:$0x10000] =	vst v63  }
0x238: {  	_ = 	snop  }
0x239: {  	[hbm4b:s8+s2] =	stream.linear.scatter [tilespmem:s12], [sflag:$0x2], $0x8000, $0x38;
	[tilespmem:$0x10000] =	vst v63  }
0x23a: {  	_ = 	snop  }
0x23b: {  	[hbm4b:s9+s2] =	stream.linear.scatter [tilespmem:s12], [sflag:$0x2], $0x8000, $0x38;
	[tilespmem:$0x10000] =	vst v63  }
0x23c: {  	_ = 	snop  }
0x23d: {  	[hbm4b:s10+s2] =	stream.linear.scatter [tilespmem:s12], [sflag:$0x2], $0x8000, $0x38;
	[tilespmem:$0x10000] =	vst v63  }
0x23e: {  	_ =	swait.ge [sflag:s3], $0x8000  }
0x23f: {  	[sflag:s3] =	ssyncset.done $0x0  }
0x240: {  	[sflag:s3] =	ssyncadd.s32 $0xFFFF8000  }
0x241: {  	_ =	swait.ge [sflag:s3], $0x8000  }
0x242: {  	[sflag:s3] =	ssyncset.done $0x0  }
0x243: {  	[sflag:s3] =	ssyncadd.s32 $0xFFFF8000  }
0x244: {  	_ =	swait.ge [sflag:s3], $0x8000  }
0x245: {  	[sflag:s3] =	ssyncset.done $0x0  }
0x246: {  	[sflag:s3] =	ssyncadd.s32 $0xFFFF8000  }
0x247: {  	_ =	swait.ge [sflag:s3], $0x8000  }
0x248: {  	[sflag:s3] =	ssyncset.done $0x0  }
0x249: {  	[sflag:s3] =	ssyncadd.s32 $0xFFFF8000  }
0x24a: {  	_ =	swait.ge [sflag:s3], $0x8000  }
0x24b: {  	[sflag:s3] =	ssyncset.done $0x0  }
0x24c: {  	[sflag:s3] =	ssyncadd.s32 $0xFFFF8000  }
0x24d: {  	_ =	swait.ge [sflag:s3], $0x8000  }
0x24e: {  	[sflag:s3] =	ssyncset.done $0x0  }
0x24f: {  	[sflag:s3] =	ssyncadd.s32 $0xFFFF8000  }
0x250: {  	_ =	swait.ge [sflag:s3], $0x8000  }
0x251: {  	[sflag:s3] =	ssyncset.done $0x0  }
0x252: {  	[sflag:s3] =	ssyncadd.s32 $0xFFFF8000  }
0x253: {  	_ =	swait.ge [sflag:s3], $0x8000  }
0x254: {  	[sflag:s3] =	ssyncset.done $0x0  }
0x255: {  	[sflag:s3] =	ssyncadd.s32 $0xFFFF8000  }
0x256: {  	_ =	sfence.sel $0x180000  }
0x257: {  	[bflag:$0x0] =	sbarrier.arrive $0xFFFF  }
0x258: {  	_ =	strace $0x90000047  }
0x259: {  	s31 =	stileid.u32;
	[bflag:$0x2] =	sbarrier.arrive $0xFFFF  }
0x25a: {  	p0 =	sne.s32 s31, $0x0;
	s0 =	rddreg [dreg:$0x2]  }
0x25b: {  	s0 =	sadd.s32 @!p0 $0x100000, s0  }
0x25c: {  	[sflag:s0] =	ssyncadd.tile.s32 @!p0 $0x1;
	_ =	shalt  }
.LBB2_2:
.Ltmp3:
0x25d: {  	(pc) =	sbr.rel .LBB2_5-.Ltmp3, $2  }
0x25e: {  	_ =	sdelay $0x2  }
0x25f: {  	s31 =	rddreg [dreg:$0x12]  }
.Lfunc_end2:
_tile_overlayer_lowered:
.L_overlay_start_2:
0x260: {  	(tag) =	ssettag $0x2  }
0x261: {  	s0 =	rddreg [dreg:$0x0];
	s2 =	stileid.u32  }
0x262: {  	s1 =	rddreg [dreg:$0x1];
	p0 =	sne.s32 s2, $0x0  }
0x263: {  	s3 =	rddreg [dreg:$0x2];
	[bflag:$0x3] =	sbarrier.arrive $0xFFFF;
	s2 =	simm.s32 @!p0 $0x1C03  }
0x264: {  	[timem:s3], [sflag:s2] =	dma.local @!p0 [hbm:s0], s1  }
0x265: {  	s0 =	simm.s32 @!p0 $0x3  }
0x266: {  	_ =	swait.ge @!p0 [sflag:s0], s1  }
0x267: {  	s1 =	ssub.s32 @!p0 $0x0, s1;
	[sflag:s0] =	ssyncset.done @!p0 $0x0  }
0x268: {  	[sflag:s0] =	ssyncadd.s32 @!p0 s1  }
0x269: {  	[bflag:$0x3] =	sbarrier.arrive $0xFFFF  }
0x26a: {  	_ =	shalt  }

</sc_bundles>
